<compile_context>
chip_gen: v7x
topology: tpu7x:2x2x1
jax: 0.10.2.dev20260603
libtpu: 0.0.44.dev20260713+nightly
codegen_flags: <defaults>
</compile_context>

<pallas_src>
import functools

import jax
import jax.numpy as jnp
from jax import lax
from jax.experimental import pallas as pl
from jax.experimental.pallas import tpu as pltpu
from jax.experimental.pallas import tpu_sc as plsc

EPS = 1e-5
B = 8
N = 2048
K = 8
RT = 256
NT = 512
NC = 2
NS = 16
NW = NC * NS


def _lrelu(t):
    return jnp.maximum(t, 0.2 * t)



def _stage1_body(x_ref, nf_ref, pf_ref, w1_ref, y_ref, ssum_ref, ssq_ref):
    b = pl.program_id(0)
    nt = pl.program_id(1)
    xcat = jnp.concatenate([x_ref[0] + nf_ref[0], pf_ref[0]], axis=0)
    y = lax.dot_general(w1_ref[...], xcat, (((1,), (0,)), ((), ())),
                        preferred_element_type=jnp.float32)
    y_ref[0] = y
    s = jnp.sum(y, axis=1, keepdims=True)
    s2 = jnp.sum(y * y, axis=1, keepdims=True)
    first = jnp.logical_and(b == 0, nt == 0)

    @pl.when(first)
    def _():
        ssum_ref[...] = s
        ssq_ref[...] = s2

    @pl.when(jnp.logical_not(first))
    def _():
        ssum_ref[...] = ssum_ref[...] + s
        ssq_ref[...] = ssq_ref[...] + s2


def _stage1(x, nf, pf, w1):
    return pl.pallas_call(
        _stage1_body,
        grid=(B, N // NT),
        in_specs=[
            pl.BlockSpec((1, 128, NT), lambda b, nt: (b, 0, nt)),
            pl.BlockSpec((1, 128, NT), lambda b, nt: (b, 0, nt)),
            pl.BlockSpec((1, 128, NT), lambda b, nt: (b, 0, nt)),
            pl.BlockSpec((128, 256), lambda b, nt: (0, 0)),
        ],
        out_specs=[
            pl.BlockSpec((1, 128, NT), lambda b, nt: (b, 0, nt)),
            pl.BlockSpec((128, 1), lambda b, nt: (0, 0)),
            pl.BlockSpec((128, 1), lambda b, nt: (0, 0)),
        ],
        out_shape=[
            jax.ShapeDtypeStruct((B, 128, N), jnp.float32),
            jax.ShapeDtypeStruct((128, 1), jnp.float32),
            jax.ShapeDtypeStruct((128, 1), jnp.float32),
        ],
    )(x, nf, pf, w1)



def _knn_body(c_in, ytfull_ref, ytrows_ref, sct_ref, offt_ref,
              idx_ref, tab_ref):
    b = pl.program_id(0)
    ft_full = _lrelu(ytfull_ref[0] * sct_ref[...] + offt_ref[...])
    ft_rows = _lrelu(ytrows_ref[0] * sct_ref[...] + offt_ref[...])
    f_rows = jnp.transpose(ft_rows)
    g = lax.dot_general(f_rows, ft_full, (((1,), (0,)), ((), ())),
                        preferred_element_type=jnp.float32)
    nc = jnp.sum(ft_full * ft_full, axis=0, keepdims=True)
    nr = jnp.sum(f_rows * f_rows, axis=1, keepdims=True)
    p = 2.0 * g - nr - nc

    colidx = lax.broadcasted_iota(jnp.int32, (RT, N), 1)
    slot = lax.broadcasted_iota(jnp.int32, (RT, K), 1)
    idx = jnp.zeros((RT, K), jnp.int32)
    neg = jnp.float32(-jnp.inf)
    for t in range(K):
        m = jnp.max(p, axis=1, keepdims=True)
        cand = jnp.where(p == m, colidx, N)
        j = jnp.min(cand, axis=1, keepdims=True)
        idx = jnp.where(slot == t, jnp.broadcast_to(j, (RT, K)), idx)
        p = jnp.where(colidx == j, neg, p)
    idx_ref[0] = idx + b * N

    if c_in == 128:
        tab_ref[0] = f_rows
    else:
        tab_ref[0] = jnp.concatenate(
            [f_rows, jnp.zeros((RT, 128 - c_in), jnp.float32)], axis=1)


def _knn_stage(yt, sc, off, c_in):
    return pl.pallas_call(
        functools.partial(_knn_body, c_in),
        grid=(B, N // RT),
        in_specs=[
            pl.BlockSpec((1, c_in, N), lambda b, rt: (b, 0, 0)),
            pl.BlockSpec((1, c_in, RT), lambda b, rt: (b, 0, rt)),
            pl.BlockSpec((c_in, 1), lambda b, rt: (0, 0)),
            pl.BlockSpec((c_in, 1), lambda b, rt: (0, 0)),
        ],
        out_specs=[
            pl.BlockSpec((1, RT, K), lambda b, rt: (b, rt, 0)),
            pl.BlockSpec((1, RT, 128), lambda b, rt: (b, rt, 0)),
        ],
        out_shape=[
            jax.ShapeDtypeStruct((B, N, K), jnp.int32),
            jax.ShapeDtypeStruct((B, N, 128), jnp.float32),
        ],
    )(yt, yt, sc.reshape(-1, 1), off.reshape(-1, 1))



def _sc_gather(table, idx):
    e = idx.shape[0]
    per_w = e // NW
    ch = 128
    nchunks = per_w // ch
    mesh = plsc.VectorSubcoreMesh(core_axis_name="c", subcore_axis_name="s")

    @functools.partial(
        pl.kernel,
        mesh=mesh,
        out_type=jax.ShapeDtypeStruct((e, 128), jnp.float32),
        scratch_types=[
            pltpu.VMEM((per_w,), jnp.int32),
            pltpu.VMEM((ch, 128), jnp.float32),
            pltpu.SemaphoreType.DMA,
        ],
    )
    def gather_kernel(table_hbm, idx_hbm, out_hbm, idx_v, rows_v, sem):
        wid = lax.axis_index("s") * NC + lax.axis_index("c")
        base = pl.multiple_of(wid * per_w, 128)
        pltpu.sync_copy(idx_hbm.at[pl.ds(base, per_w)], idx_v)

        def body(ci, carry):
            off = pl.multiple_of(ci * ch, 128)
            pltpu.async_copy(table_hbm.at[idx_v.at[pl.ds(off, ch)]],
                             rows_v, sem).wait()
            pltpu.sync_copy(rows_v, out_hbm.at[pl.ds(base + off, ch)])
            return carry

        lax.fori_loop(0, nchunks, body, 0)

    return gather_kernel(table, idx)



def _edge_body(c_e, g_ref, f_ref, w_ref, mt_ref, st_ref, st2_ref):
    b = pl.program_id(0)
    nt = pl.program_id(1)
    fi = f_ref[0][:, :c_e]
    mt = None
    s1 = None
    s2 = None
    for j in range(K):
        fj = g_ref[j, 0][:, :c_e]
        e = jnp.concatenate([fj - fi, fi], axis=1)
        t = lax.dot_general(e, w_ref[...], (((1,), (0,)), ((), ())),
                            preferred_element_type=jnp.float32)
        if mt is None:
            mt, s1, s2 = t, t, t * t
        else:
            mt = jnp.maximum(mt, t)
            s1 = s1 + t
            s2 = s2 + t * t
    mt_ref[0] = mt
    st = jnp.sum(s1, axis=0, keepdims=True)
    st2 = jnp.sum(s2, axis=0, keepdims=True)
    first = jnp.logical_and(b == 0, nt == 0)

    @pl.when(first)
    def _():
        st_ref[...] = st
        st2_ref[...] = st2

    @pl.when(jnp.logical_not(first))
    def _():
        st_ref[...] = st_ref[...] + st
        st2_ref[...] = st2_ref[...] + st2


def _edge_stage(gathered, f, wt, c_e, c_out):
    return pl.pallas_call(
        functools.partial(_edge_body, c_e),
        grid=(B, N // RT),
        in_specs=[
            pl.BlockSpec((K, 1, RT, 128), lambda b, nt: (0, b, nt, 0)),
            pl.BlockSpec((1, RT, 128), lambda b, nt: (b, nt, 0)),
            pl.BlockSpec((2 * c_e, c_out), lambda b, nt: (0, 0)),
        ],
        out_specs=[
            pl.BlockSpec((1, RT, c_out), lambda b, nt: (b, nt, 0)),
            pl.BlockSpec((1, c_out), lambda b, nt: (0, 0)),
            pl.BlockSpec((1, c_out), lambda b, nt: (0, 0)),
        ],
        out_shape=[
            jax.ShapeDtypeStruct((B, N, c_out), jnp.float32),
            jax.ShapeDtypeStruct((1, c_out), jnp.float32),
            jax.ShapeDtypeStruct((1, c_out), jnp.float32),
        ],
    )(gathered, f, wt)



def _stage4_body(feat_ref, u2_ref, sc_ref, off_ref, w4_ref,
                 dmax_ref, ssum_ref, ssq_ref):
    b = pl.program_id(0)
    nt = pl.program_id(1)
    h = feat_ref[0] + _lrelu(u2_ref[0] * sc_ref[...] + off_ref[...])
    y = lax.dot_general(h, w4_ref[...], (((1,), (0,)), ((), ())),
                        preferred_element_type=jnp.float32)
    tmax = jnp.max(y, axis=0, keepdims=True)
    s = jnp.sum(y, axis=0, keepdims=True)
    s2 = jnp.sum(y * y, axis=0, keepdims=True)

    @pl.when(nt == 0)
    def _():
        dmax_ref[0] = tmax

    @pl.when(nt != 0)
    def _():
        dmax_ref[0] = jnp.maximum(dmax_ref[0], tmax)

    first = jnp.logical_and(b == 0, nt == 0)

    @pl.when(first)
    def _():
        ssum_ref[...] = s
        ssq_ref[...] = s2

    @pl.when(jnp.logical_not(first))
    def _():
        ssum_ref[...] = ssum_ref[...] + s
        ssq_ref[...] = ssq_ref[...] + s2


def _stage4(feat, u2, sc, off, w4):
    return pl.pallas_call(
        _stage4_body,
        grid=(B, N // NT),
        in_specs=[
            pl.BlockSpec((1, NT, 128), lambda b, nt: (b, nt, 0)),
            pl.BlockSpec((1, NT, 128), lambda b, nt: (b, nt, 0)),
            pl.BlockSpec((1, 128), lambda b, nt: (0, 0)),
            pl.BlockSpec((1, 128), lambda b, nt: (0, 0)),
            pl.BlockSpec((128, 256), lambda b, nt: (0, 0)),
        ],
        out_specs=[
            pl.BlockSpec((1, 1, 256), lambda b, nt: (b, 0, 0)),
            pl.BlockSpec((1, 256), lambda b, nt: (0, 0)),
            pl.BlockSpec((1, 256), lambda b, nt: (0, 0)),
        ],
        out_shape=[
            jax.ShapeDtypeStruct((B, 1, 256), jnp.float32),
            jax.ShapeDtypeStruct((1, 256), jnp.float32),
            jax.ShapeDtypeStruct((1, 256), jnp.float32),
        ],
    )(feat, u2, sc, off, w4)



def _head_body(d_ref, sc_ref, off_ref, wf1_ref, gf1_ref, bef1_ref,
               wf2_ref, gf2_ref, bef2_ref, wf3_ref, bf3_ref, out_ref):
    d = _lrelu(d_ref[...] * sc_ref[...] + off_ref[...])
    h1 = lax.dot_general(d, wf1_ref[...], (((1,), (0,)), ((), ())),
                         preferred_element_type=jnp.float32)
    m = jnp.mean(h1, axis=0, keepdims=True)
    v = jnp.mean(h1 * h1, axis=0, keepdims=True) - m * m
    h1 = _lrelu((h1 - m) * lax.rsqrt(v + EPS) * gf1_ref[...] + bef1_ref[...])
    h2 = lax.dot_general(h1, wf2_ref[...], (((1,), (0,)), ((), ())),
                         preferred_element_type=jnp.float32)
    m = jnp.mean(h2, axis=0, keepdims=True)
    v = jnp.mean(h2 * h2, axis=0, keepdims=True) - m * m
    h2 = _lrelu((h2 - m) * lax.rsqrt(v + EPS) * gf2_ref[...] + bef2_ref[...])
    out_ref[...] = lax.dot_general(h2, wf3_ref[...], (((1,), (0,)), ((), ())),
                                   preferred_element_type=jnp.float32) \
        + bf3_ref[...]


def _head(d, sc, off, wf1, gf1, bef1, wf2, gf2, bef2, wf3p, bf3p):
    return pl.pallas_call(
        _head_body,
        grid=(1,),
        in_specs=[
            pl.BlockSpec((B, 256), lambda i: (0, 0)),
            pl.BlockSpec((1, 256), lambda i: (0, 0)),
            pl.BlockSpec((1, 256), lambda i: (0, 0)),
            pl.BlockSpec((256, 128), lambda i: (0, 0)),
            pl.BlockSpec((1, 128), lambda i: (0, 0)),
            pl.BlockSpec((1, 128), lambda i: (0, 0)),
            pl.BlockSpec((128, 64), lambda i: (0, 0)),
            pl.BlockSpec((1, 64), lambda i: (0, 0)),
            pl.BlockSpec((1, 64), lambda i: (0, 0)),
            pl.BlockSpec((64, 128), lambda i: (0, 0)),
            pl.BlockSpec((1, 128), lambda i: (0, 0)),
        ],
        out_specs=pl.BlockSpec((B, 128), lambda i: (0, 0)),
        out_shape=jax.ShapeDtypeStruct((B, 128), jnp.float32),
    )(d, sc, off, wf1, gf1, bef1, wf2, gf2, bef2, wf3p, bf3p)



def _scale_offset(ssum, ssq, cnt, g, be):
    mean = ssum[0] / cnt
    var = ssq[0] / cnt - mean * mean
    sc = g / jnp.sqrt(var + EPS)
    off = be - mean * sc
    return sc.reshape(1, -1), off.reshape(1, -1)


def _slot_major(idx):
    return jnp.transpose(idx, (2, 0, 1)).reshape(-1)


def kernel(x, normalfeature, pointfusefeature, W1, b1, g1, be1, W2, b2, g2, be2,
           W3, b3, g3, be3, W4, b4, g4, be4, Wf1, bf1, gf1, bef1, Wf2, bf2, gf2,
           bef2, Wf3, bf3):
    w2 = jnp.transpose(W2)
    w3 = jnp.transpose(W3)
    w4 = jnp.transpose(W4)
    wf1 = jnp.transpose(Wf1)
    wf2 = jnp.transpose(Wf2)
    wf3p = jnp.zeros((64, 128), jnp.float32).at[:, :3].set(jnp.transpose(Wf3))
    bf3p = jnp.zeros((1, 128), jnp.float32).at[0, :3].set(bf3)

    y1, s1, q1 = _stage1(x, normalfeature, pointfusefeature, W1)
    sc1, off1 = _scale_offset(s1.reshape(1, -1), q1.reshape(1, -1), B * N,
                              g1, be1)

    idx1, feat = _knn_stage(y1, sc1, off1, 128)
    eg1 = _sc_gather(feat.reshape(B * N, 128), _slot_major(idx1))
    mt1, s2_, q2 = _edge_stage(eg1.reshape(K, B, N, 128), feat, w2, 128, 64)
    sc2, off2 = _scale_offset(s2_, q2, B * N * K, g2, be2)

    idx2, f1pad = _knn_stage(jnp.transpose(mt1, (0, 2, 1)), sc2, off2, 64)
    eg2 = _sc_gather(f1pad.reshape(B * N, 128), _slot_major(idx2))
    mt2, s3, q3 = _edge_stage(eg2.reshape(K, B, N, 128), f1pad, w3, 64, 128)
    sc3, off3 = _scale_offset(s3, q3, B * N * K, g3, be3)

    dmax, s4, q4 = _stage4(feat, mt2, sc3, off3, w4)
    sc4, off4 = _scale_offset(s4, q4, B * N, g4, be4)

    out = _head(dmax.reshape(B, 256), sc4, off4,
                wf1, gf1.reshape(1, -1), bef1.reshape(1, -1),
                wf2, gf2.reshape(1, -1), bef2.reshape(1, -1),
                wf3p, bf3p)
    return out[:, :3]

# --- scband reference (transcript-rebuilt; emitter-appended) ---
"""Pipeline reference for scband-normal-encorder-7834020348450 (READ-ONLY COPY).

The authoritative reference and input builder live on the scoring server;
editing this copy changes nothing except your own understanding.
"""

import jax, jax.numpy as jnp
import numpy as np


def knn(x, k):
    inner = -2.0 * jnp.matmul(jnp.transpose(x, (0, 2, 1)), x)
    xx = jnp.sum(x ** 2, axis=1, keepdims=True)
    pairwise = -xx - inner - jnp.transpose(xx, (0, 2, 1))
    return jax.lax.top_k(pairwise, k)[1]


def get_knn_feature(x, k):
    B, C, N = x.shape
    idx = knn(x, k)
    idx = (idx + (jnp.arange(B) * N).reshape(-1, 1, 1)).reshape(-1)
    xt = jnp.transpose(x, (0, 2, 1)).reshape(B * N, C)
    feat = xt[idx].reshape(B, N, k, C)
    xc = jnp.broadcast_to(xt.reshape(B, N, 1, C), (B, N, k, C))
    feat = jnp.concatenate([feat - xc, xc], axis=3)
    return jnp.transpose(feat, (0, 3, 1, 2))


def bn(x, g, b, axes):
    m = jnp.mean(x, axis=axes, keepdims=True)
    v = jnp.var(x, axis=axes, keepdims=True)
    sh = [1] * x.ndim
    sh[1] = -1
    return (x - m) / jnp.sqrt(v + 1e-5) * g.reshape(sh) + b.reshape(sh)


def setup_inputs(seed: int = 0):
    key = jax.random.key(seed)
    ks = jax.random.split(key, 16)
    B, N = 8, 2048
    def p(k, shape, s=0.1):
        return jax.random.normal(k, shape, dtype=jnp.float32) * s
    return {
        'x': p(ks[0], (B, 128, N), 1.0),
        'normalfeature': p(ks[1], (B, 128, N), 1.0),
        'pointfusefeature': p(ks[2], (B, 128, N), 1.0),
        'W1': p(ks[3], (128, 256)), 'b1': jnp.zeros(128, jnp.float32), 'g1': jnp.ones(128, jnp.float32), 'be1': jnp.zeros(128, jnp.float32),
        'W2': p(ks[4], (64, 256)), 'b2': jnp.zeros(64, jnp.float32), 'g2': jnp.ones(64, jnp.float32), 'be2': jnp.zeros(64, jnp.float32),
        'W3': p(ks[5], (128, 128)), 'b3': jnp.zeros(128, jnp.float32), 'g3': jnp.ones(128, jnp.float32), 'be3': jnp.zeros(128, jnp.float32),
        'W4': p(ks[6], (256, 128)), 'b4': jnp.zeros(256, jnp.float32), 'g4': jnp.ones(256, jnp.float32), 'be4': jnp.zeros(256, jnp.float32),
        'Wf1': p(ks[7], (128, 256)), 'bf1': jnp.zeros(128, jnp.float32), 'gf1': jnp.ones(128, jnp.float32), 'bef1': jnp.zeros(128, jnp.float32),
        'Wf2': p(ks[8], (64, 128)), 'bf2': jnp.zeros(64, jnp.float32), 'gf2': jnp.ones(64, jnp.float32), 'bef2': jnp.zeros(64, jnp.float32),
        'Wf3': p(ks[9], (3, 64)), 'bf3': jnp.zeros(3, jnp.float32),
    }


def reference(x, normalfeature, pointfusefeature, W1, b1, g1, be1, W2, b2, g2, be2, W3, b3, g3, be3, W4, b4, g4, be4, Wf1, bf1, gf1, bef1, Wf2, bf2, gf2, bef2, Wf3, bf3):
    lrelu = lambda t: jax.nn.leaky_relu(t, 0.2)
    x = x + normalfeature
    x = jnp.concatenate([x, pointfusefeature], axis=1)
    feature = lrelu(bn(jnp.einsum('oi,bin->bon', W1, x) + b1.reshape(1, -1, 1), g1, be1, (0, 2)))
    f1 = get_knn_feature(feature, 8)
    f1 = lrelu(bn(jnp.einsum('oi,bink->bonk', W2, f1) + b2.reshape(1, -1, 1, 1), g2, be2, (0, 2, 3)))
    f1 = jnp.max(f1, axis=-1)
    f1 = get_knn_feature(f1, 8)
    f1 = lrelu(bn(jnp.einsum('oi,bink->bonk', W3, f1) + b3.reshape(1, -1, 1, 1), g3, be3, (0, 2, 3)))
    f1 = jnp.max(f1, axis=-1)
    feature = feature + f1
    feature = lrelu(bn(jnp.einsum('oi,bin->bon', W4, feature) + b4.reshape(1, -1, 1), g4, be4, (0, 2)))
    dis = jnp.max(feature, axis=-1)
    dis = lrelu(bn(dis @ Wf1.T + bf1, gf1, bef1, (0,)))
    dis = lrelu(bn(dis @ Wf2.T + bf2, gf2, bef2, (0,)))
    dis = dis @ Wf3.T + bf3
    return dis

if __name__ == "__main__":
    import jax
    _d = setup_inputs()
    print(jax.jit(kernel)(*tuple(_d.values())))

</pallas_src>

<mosaic_0001>
#map = affine_map<(d0, d1) -> (0, 0)>
#map1 = affine_map<(d0, d1) -> (0)>
module attributes {stable_mosaic.version = 14 : i64} {
  func.func @gather_kernel(%arg0: i32, %arg1: i32, %arg2: memref<16384x128xf32, #tpu.memory_space<hbm>>, %arg3: memref<131072xi32, #tpu.memory_space<hbm>>, %arg4: memref<131072x128xf32, #tpu.memory_space<hbm>>, %arg5: memref<4096xi32, #tpu.memory_space<vmem>>, %arg6: memref<128x128xf32, #tpu.memory_space<vmem>>, %arg7: memref<!tpu.dma_semaphore, #tpu.memory_space<semaphore_mem>>) attributes {dimension_semantics = [#tpu.dimension_semantics<core_parallel>, #tpu.dimension_semantics<subcore_parallel>], iteration_bounds = array<i64: 2, 16>, scalar_prefetch = 0 : i64, scratch_operands = 3 : i64, tpu.core_type = #tpu.core_type<sc_vector_subcore>, window_params = [{transform_indices = #map}, {transform_indices = #map1}, {transform_indices = #map}]} {
    %mul3A = arith.constant 2 : i32
    %mul3A_0 = arith.muli %arg1, %mul3A : i32
    %add3A = arith.addi %mul3A_0, %arg0 : i32
    %mul3A_1 = arith.constant 4096 : i32
    %mul3A_2 = arith.muli %add3A, %mul3A_1 : i32
    %multiple_of3A = tpu.assume_multiple %mul3A_2, 128 : i32
    "tpu.region"() ({
      %run_scoped3A = tpu.sem_alloc : memref<!tpu.dma_semaphore, #tpu.memory_space<semaphore_mem>>
      %dma_start3A = tpu.memref_slice %arg3[%multiple_of3A] : memref<131072xi32, #tpu.memory_space<hbm>> -> memref<4096xi32, #tpu.memory_space<hbm>>
      %dma_start3A_8 = tpu.memref_slice %arg3[%multiple_of3A] : memref<131072xi32, #tpu.memory_space<hbm>> -> memref<4096xi32, #tpu.memory_space<hbm>>
      tpu.enqueue_dma source(%dma_start3A_8 : memref<4096xi32, #tpu.memory_space<hbm>>) target(%arg5 : memref<4096xi32, #tpu.memory_space<vmem>>) target_semaphore(%run_scoped3A : memref<!tpu.dma_semaphore, #tpu.memory_space<semaphore_mem>>)
      %dma_wait3A = tpu.memref_slice %arg3[%multiple_of3A] : memref<131072xi32, #tpu.memory_space<hbm>> -> memref<4096xi32, #tpu.memory_space<hbm>>
      %dma_wait3A_9 = tpu.memref_slice %arg3[%multiple_of3A] : memref<131072xi32, #tpu.memory_space<hbm>> -> memref<4096xi32, #tpu.memory_space<hbm>>
      tpu.wait_dma2 semaphore(%run_scoped3A : memref<!tpu.dma_semaphore, #tpu.memory_space<semaphore_mem>>) src(%dma_wait3A_9 : memref<4096xi32, #tpu.memory_space<hbm>>) dst(%arg5 : memref<4096xi32, #tpu.memory_space<vmem>>)
      tpu.yield
    }) : () -> ()
    %scan3A = arith.constant 0 : i32
    %scan3A_3 = arith.constant 0 : i32
    %scan3A_4 = arith.constant 32 : i32
    %scan3A_5 = arith.addi %scan3A_3, %scan3A_4 : i32
    %scan3A_6 = arith.constant 1 : i32
    scf.for %scan3A_8 = %scan3A_3 to %scan3A_5 step %scan3A_6  : i32 {
      %mul3A_9 = arith.constant 128 : i32
      %mul3A_10 = arith.muli %scan3A_8, %mul3A_9 : i32
      %multiple_of3A_11 = tpu.assume_multiple %mul3A_10, 128 : i32
      %dma_start3A = tpu.memref_slice %arg5[%multiple_of3A_11] : memref<4096xi32, #tpu.memory_space<vmem>> -> memref<128xi32, #tpu.memory_space<vmem>>
      %dma_start3A_12 = arith.constant 0 : i32
      %dma_start3A_13 = arith.constant 0 : i32
      %dma_start3A_14 = tpu.memref_slice %arg2[%dma_start3A_12, %dma_start3A_13] : memref<16384x128xf32, #tpu.memory_space<hbm>> -> memref<16384x128xf32, #tpu.memory_space<hbm>>
      tpu.enqueue_indirect_dma source(%dma_start3A_14 : memref<16384x128xf32, #tpu.memory_space<hbm>>) target(%arg6 : memref<128x128xf32, #tpu.memory_space<vmem>>) offsets(%dma_start3A : memref<128xi32, #tpu.memory_space<vmem>>) semaphore(%arg7 : memref<!tpu.dma_semaphore, #tpu.memory_space<semaphore_mem>>)
      %dma_wait3A = tpu.memref_slice %arg5[%multiple_of3A_11] : memref<4096xi32, #tpu.memory_space<vmem>> -> memref<128xi32, #tpu.memory_space<vmem>>
      %dma_wait3A_15 = arith.constant 0 : i32
      %dma_wait3A_16 = arith.constant 0 : i32
      %dma_wait3A_17 = tpu.memref_slice %arg2[%dma_wait3A_15, %dma_wait3A_16] : memref<16384x128xf32, #tpu.memory_space<hbm>> -> memref<16384x128xf32, #tpu.memory_space<hbm>>
      tpu.wait_indirect_dma semaphore(%arg7 : memref<!tpu.dma_semaphore, #tpu.memory_space<semaphore_mem>>) src(%dma_wait3A_17 : memref<16384x128xf32, #tpu.memory_space<hbm>>) dst(%arg6 : memref<128x128xf32, #tpu.memory_space<vmem>>)
      %add3A_18 = arith.addi %multiple_of3A, %multiple_of3A_11 : i32
      "tpu.region"() ({
        %run_scoped3A = tpu.sem_alloc : memref<!tpu.dma_semaphore, #tpu.memory_space<semaphore_mem>>
        %dma_start3A_19 = arith.constant 0 : i32
        %dma_start3A_20 = tpu.memref_slice %arg4[%add3A_18, %dma_start3A_19] : memref<131072x128xf32, #tpu.memory_space<hbm>> -> memref<128x128xf32, #tpu.memory_space<hbm>>
        %dma_start3A_21 = arith.constant 0 : i32
        %dma_start3A_22 = tpu.memref_slice %arg4[%add3A_18, %dma_start3A_21] : memref<131072x128xf32, #tpu.memory_space<hbm>> -> memref<128x128xf32, #tpu.memory_space<hbm>>
        tpu.enqueue_dma source(%arg6 : memref<128x128xf32, #tpu.memory_space<vmem>>) target(%dma_start3A_22 : memref<128x128xf32, #tpu.memory_space<hbm>>) target_semaphore(%run_scoped3A : memref<!tpu.dma_semaphore, #tpu.memory_space<semaphore_mem>>)
        %dma_wait3A_23 = arith.constant 0 : i32
        %dma_wait3A_24 = tpu.memref_slice %arg4[%add3A_18, %dma_wait3A_23] : memref<131072x128xf32, #tpu.memory_space<hbm>> -> memref<128x128xf32, #tpu.memory_space<hbm>>
        %dma_wait3A_25 = arith.constant 0 : i32
        %dma_wait3A_26 = tpu.memref_slice %arg4[%add3A_18, %dma_wait3A_25] : memref<131072x128xf32, #tpu.memory_space<hbm>> -> memref<128x128xf32, #tpu.memory_space<hbm>>
        tpu.wait_dma2 semaphore(%run_scoped3A : memref<!tpu.dma_semaphore, #tpu.memory_space<semaphore_mem>>) src(%arg6 : memref<128x128xf32, #tpu.memory_space<vmem>>) dst(%dma_wait3A_26 : memref<128x128xf32, #tpu.memory_space<hbm>>)
        tpu.yield
      }) : () -> ()
    }
    %scan3A_7 = arith.constant 32 : i32
    return
  }
}

#map = affine_map<(d0, d1) -> (0, 0)>
#map1 = affine_map<(d0, d1) -> (0)>
module attributes {stable_mosaic.version = 14 : i64} {
  func.func @gather_kernel(%arg0: i32, %arg1: i32, %arg2: memref<16384x128xf32, #tpu.memory_space<hbm>>, %arg3: memref<131072xi32, #tpu.memory_space<hbm>>, %arg4: memref<131072x128xf32, #tpu.memory_space<hbm>>, %arg5: memref<4096xi32, #tpu.memory_space<vmem>>, %arg6: memref<128x128xf32, #tpu.memory_space<vmem>>, %arg7: memref<!tpu.dma_semaphore, #tpu.memory_space<semaphore_mem>>) attributes {dimension_semantics = [#tpu.dimension_semantics<core_parallel>, #tpu.dimension_semantics<subcore_parallel>], iteration_bounds = array<i64: 2, 16>, scalar_prefetch = 0 : i64, scratch_operands = 3 : i64, tpu.core_type = #tpu.core_type<sc_vector_subcore>, window_params = [{transform_indices = #map}, {transform_indices = #map1}, {transform_indices = #map}]} {
    %mul3A = arith.constant 2 : i32
    %mul3A_0 = arith.muli %arg1, %mul3A : i32
    %add3A = arith.addi %mul3A_0, %arg0 : i32
    %mul3A_1 = arith.constant 4096 : i32
    %mul3A_2 = arith.muli %add3A, %mul3A_1 : i32
    %multiple_of3A = tpu.assume_multiple %mul3A_2, 128 : i32
    "tpu.region"() ({
      %run_scoped3A = tpu.sem_alloc : memref<!tpu.dma_semaphore, #tpu.memory_space<semaphore_mem>>
      %dma_start3A = tpu.memref_slice %arg3[%multiple_of3A] : memref<131072xi32, #tpu.memory_space<hbm>> -> memref<4096xi32, #tpu.memory_space<hbm>>
      %dma_start3A_8 = tpu.memref_slice %arg3[%multiple_of3A] : memref<131072xi32, #tpu.memory_space<hbm>> -> memref<4096xi32, #tpu.memory_space<hbm>>
      tpu.enqueue_dma source(%dma_start3A_8 : memref<4096xi32, #tpu.memory_space<hbm>>) target(%arg5 : memref<4096xi32, #tpu.memory_space<vmem>>) target_semaphore(%run_scoped3A : memref<!tpu.dma_semaphore, #tpu.memory_space<semaphore_mem>>)
      %dma_wait3A = tpu.memref_slice %arg3[%multiple_of3A] : memref<131072xi32, #tpu.memory_space<hbm>> -> memref<4096xi32, #tpu.memory_space<hbm>>
      %dma_wait3A_9 = tpu.memref_slice %arg3[%multiple_of3A] : memref<131072xi32, #tpu.memory_space<hbm>> -> memref<4096xi32, #tpu.memory_space<hbm>>
      tpu.wait_dma2 semaphore(%run_scoped3A : memref<!tpu.dma_semaphore, #tpu.memory_space<semaphore_mem>>) src(%dma_wait3A_9 : memref<4096xi32, #tpu.memory_space<hbm>>) dst(%arg5 : memref<4096xi32, #tpu.memory_space<vmem>>)
      tpu.yield
    }) : () -> ()
    %scan3A = arith.constant 0 : i32
    %scan3A_3 = arith.constant 0 : i32
    %scan3A_4 = arith.constant 32 : i32
    %scan3A_5 = arith.addi %scan3A_3, %scan3A_4 : i32
    %scan3A_6 = arith.constant 1 : i32
    scf.for %scan3A_8 = %scan3A_3 to %scan3A_5 step %scan3A_6  : i32 {
      %mul3A_9 = arith.constant 128 : i32
      %mul3A_10 = arith.muli %scan3A_8, %mul3A_9 : i32
      %multiple_of3A_11 = tpu.assume_multiple %mul3A_10, 128 : i32
      %dma_start3A = tpu.memref_slice %arg5[%multiple_of3A_11] : memref<4096xi32, #tpu.memory_space<vmem>> -> memref<128xi32, #tpu.memory_space<vmem>>
      %dma_start3A_12 = arith.constant 0 : i32
      %dma_start3A_13 = arith.constant 0 : i32
      %dma_start3A_14 = tpu.memref_slice %arg2[%dma_start3A_12, %dma_start3A_13] : memref<16384x128xf32, #tpu.memory_space<hbm>> -> memref<16384x128xf32, #tpu.memory_space<hbm>>
      tpu.enqueue_indirect_dma source(%dma_start3A_14 : memref<16384x128xf32, #tpu.memory_space<hbm>>) target(%arg6 : memref<128x128xf32, #tpu.memory_space<vmem>>) offsets(%dma_start3A : memref<128xi32, #tpu.memory_space<vmem>>) semaphore(%arg7 : memref<!tpu.dma_semaphore, #tpu.memory_space<semaphore_mem>>)
      %dma_wait3A = tpu.memref_slice %arg5[%multiple_of3A_11] : memref<4096xi32, #tpu.memory_space<vmem>> -> memref<128xi32, #tpu.memory_space<vmem>>
      %dma_wait3A_15 = arith.constant 0 : i32
      %dma_wait3A_16 = arith.constant 0 : i32
      %dma_wait3A_17 = tpu.memref_slice %arg2[%dma_wait3A_15, %dma_wait3A_16] : memref<16384x128xf32, #tpu.memory_space<hbm>> -> memref<16384x128xf32, #tpu.memory_space<hbm>>
      tpu.wait_indirect_dma semaphore(%arg7 : memref<!tpu.dma_semaphore, #tpu.memory_space<semaphore_mem>>) src(%dma_wait3A_17 : memref<16384x128xf32, #tpu.memory_space<hbm>>) dst(%arg6 : memref<128x128xf32, #tpu.memory_space<vmem>>)
      %add3A_18 = arith.addi %multiple_of3A, %multiple_of3A_11 : i32
      "tpu.region"() ({
        %run_scoped3A = tpu.sem_alloc : memref<!tpu.dma_semaphore, #tpu.memory_space<semaphore_mem>>
        %dma_start3A_19 = arith.constant 0 : i32
        %dma_start3A_20 = tpu.memref_slice %arg4[%add3A_18, %dma_start3A_19] : memref<131072x128xf32, #tpu.memory_space<hbm>> -> memref<128x128xf32, #tpu.memory_space<hbm>>
        %dma_start3A_21 = arith.constant 0 : i32
        %dma_start3A_22 = tpu.memref_slice %arg4[%add3A_18, %dma_start3A_21] : memref<131072x128xf32, #tpu.memory_space<hbm>> -> memref<128x128xf32, #tpu.memory_space<hbm>>
        tpu.enqueue_dma source(%arg6 : memref<128x128xf32, #tpu.memory_space<vmem>>) target(%dma_start3A_22 : memref<128x128xf32, #tpu.memory_space<hbm>>) target_semaphore(%run_scoped3A : memref<!tpu.dma_semaphore, #tpu.memory_space<semaphore_mem>>)
        %dma_wait3A_23 = arith.constant 0 : i32
        %dma_wait3A_24 = tpu.memref_slice %arg4[%add3A_18, %dma_wait3A_23] : memref<131072x128xf32, #tpu.memory_space<hbm>> -> memref<128x128xf32, #tpu.memory_space<hbm>>
        %dma_wait3A_25 = arith.constant 0 : i32
        %dma_wait3A_26 = tpu.memref_slice %arg4[%add3A_18, %dma_wait3A_25] : memref<131072x128xf32, #tpu.memory_space<hbm>> -> memref<128x128xf32, #tpu.memory_space<hbm>>
        tpu.wait_dma2 semaphore(%run_scoped3A : memref<!tpu.dma_semaphore, #tpu.memory_space<semaphore_mem>>) src(%arg6 : memref<128x128xf32, #tpu.memory_space<vmem>>) dst(%dma_wait3A_26 : memref<128x128xf32, #tpu.memory_space<hbm>>)
        tpu.yield
      }) : () -> ()
    }
    %scan3A_7 = arith.constant 32 : i32
    return
  }
}

module attributes {stable_mosaic.version = 14 : i64} {
  func.func @_stage1_body(%arg0: i32, %arg1: i32, %arg2: memref<1x128x512xf32, #tpu.memory_space<vmem>>, %arg3: memref<1x128x512xf32, #tpu.memory_space<vmem>>, %arg4: memref<1x128x512xf32, #tpu.memory_space<vmem>>, %arg5: memref<128x256xf32, #tpu.memory_space<vmem>>, %arg6: memref<1x128x512xf32, #tpu.memory_space<vmem>>, %arg7: memref<128x1xf32, #tpu.memory_space<vmem>>, %arg8: memref<128x1xf32, #tpu.memory_space<vmem>>) attributes {dimension_semantics = [#tpu.dimension_semantics<arbitrary>, #tpu.dimension_semantics<arbitrary>], iteration_bounds = array<i64: 8, 4>, scalar_prefetch = 0 : i64, scratch_operands = 0 : i64, tpu.core_type = #tpu.core_type<tc>, window_params = [{transform_indices = @transform_0, window_bounds = array<i64: 1, 128, 512>}, {transform_indices = @transform_1, window_bounds = array<i64: 1, 128, 512>}, {transform_indices = @transform_2, window_bounds = array<i64: 1, 128, 512>}, {pipeline_mode = #tpu.pipeline_mode<synchronous>, transform_indices = @transform_3, window_bounds = array<i64: 128, 256>}, {transform_indices = @transform_4, window_bounds = array<i64: 1, 128, 512>}, {pipeline_mode = #tpu.pipeline_mode<synchronous>, transform_indices = @transform_5, window_bounds = array<i64: 128, 1>}, {pipeline_mode = #tpu.pipeline_mode<synchronous>, transform_indices = @transform_6, window_bounds = array<i64: 128, 1>}]} {
    %get3A = arith.constant 0 : index
    %get3A_0 = arith.constant 0 : index
    %get3A_1 = arith.constant 0 : index
    %get3A_2 = vector.load %arg2[%get3A, %get3A_0, %get3A_1] : memref<1x128x512xf32, #tpu.memory_space<vmem>>, vector<1x128x512xf32>
    %get3A_3 = vector.shape_cast %get3A_2 : vector<1x128x512xf32> to vector<128x512xf32>
    %get3A_4 = arith.constant 0 : index
    %get3A_5 = arith.constant 0 : index
    %get3A_6 = arith.constant 0 : index
    %get3A_7 = vector.load %arg3[%get3A_4, %get3A_5, %get3A_6] : memref<1x128x512xf32, #tpu.memory_space<vmem>>, vector<1x128x512xf32>
    %get3A_8 = vector.shape_cast %get3A_7 : vector<1x128x512xf32> to vector<128x512xf32>
    %add3A = arith.addf %get3A_3, %get3A_8 : vector<128x512xf32>
    %get3A_9 = arith.constant 0 : index
    %get3A_10 = arith.constant 0 : index
    %get3A_11 = arith.constant 0 : index
    %get3A_12 = vector.load %arg4[%get3A_9, %get3A_10, %get3A_11] : memref<1x128x512xf32, #tpu.memory_space<vmem>>, vector<1x128x512xf32>
    %get3A_13 = vector.shape_cast %get3A_12 : vector<1x128x512xf32> to vector<128x512xf32>
    %concatenate3A = tpu.concatenate %add3A, %get3A_13 in 0 : vector<128x512xf32>, vector<128x512xf32> -> vector<256x512xf32>
    %get3A_14 = arith.constant 0 : index
    %get3A_15 = arith.constant 0 : index
    %get3A_16 = vector.load %arg5[%get3A_14, %get3A_15] : memref<128x256xf32, #tpu.memory_space<vmem>>, vector<128x256xf32>
    %dot_general3A = arith.constant dense<0.000000e+00> : vector<128x512xf32>
    %dot_general3A_17 = tpu.matmul %get3A_16, %concatenate3A, %dot_general3A {dimension_numbers = #tpu.dot_dimension_numbers<[1], [0], [0], [1], [0, 0, 1, 1], [], []>, transpose_lhs_hint = false} : vector<128x256xf32>, vector<256x512xf32>, vector<128x512xf32> -> vector<128x512xf32>
    %swap3A = arith.constant 0 : index
    %swap3A_18 = arith.constant 0 : index
    %swap3A_19 = arith.constant 0 : index
    %swap3A_20 = vector.load %arg6[%swap3A, %swap3A_18, %swap3A_19] : memref<1x128x512xf32, #tpu.memory_space<vmem>>, vector<1x128x512xf32>
    %swap3A_21 = vector.shape_cast %swap3A_20 : vector<1x128x512xf32> to vector<128x512xf32>
    %swap3A_22 = vector.shape_cast %dot_general3A_17 : vector<128x512xf32> to vector<1x128x512xf32>
    tpu.vector_store %arg6[%swap3A, %swap3A_18, %swap3A_19], %swap3A_22 {strides = array<i32>} : memref<1x128x512xf32, #tpu.memory_space<vmem>>, vector<1x128x512xf32>,
    %reduce_sum3A = arith.constant dense<0.000000e+00> : vector<128xf32>
    %reduce_sum3A_23 = vector.multi_reduction <add>, %dot_general3A_17, %reduce_sum3A [1] : vector<128x512xf32> to vector<128xf32>
    %broadcast_in_dim3A = vector.shape_cast %reduce_sum3A_23 : vector<128xf32> to vector<128x1xf32>
    %mul3A = arith.mulf %dot_general3A_17, %dot_general3A_17 : vector<128x512xf32>
    %reduce_sum3A_24 = arith.constant dense<0.000000e+00> : vector<128xf32>
    %reduce_sum3A_25 = vector.multi_reduction <add>, %mul3A, %reduce_sum3A_24 [1] : vector<128x512xf32> to vector<128xf32>
    %broadcast_in_dim3A_26 = vector.shape_cast %reduce_sum3A_25 : vector<128xf32> to vector<128x1xf32>
    %eq3A = arith.constant 0 : i32
    %eq3A_27 = arith.cmpi eq, %arg0, %eq3A : i32
    %eq3A_28 = arith.constant 0 : i32
    %eq3A_29 = arith.cmpi eq, %arg1, %eq3A_28 : i32
    %and3A = arith.andi %eq3A_27, %eq3A_29 : i1
    %convert_element_type3A = arith.extui %and3A : i1 to i32
    %cond3A = arith.constant 0 : i32
    %cond3A_30 = arith.cmpi ne, %convert_element_type3A, %cond3A : i32
    scf.if %cond3A_30 {
      %swap3A_35 = arith.constant 0 : index
      %swap3A_36 = arith.constant 0 : index
      %swap3A_37 = vector.load %arg7[%swap3A_35, %swap3A_36] : memref<128x1xf32, #tpu.memory_space<vmem>>, vector<128x1xf32>
      tpu.vector_store %arg7[%swap3A_35, %swap3A_36], %broadcast_in_dim3A {strides = array<i32>} : memref<128x1xf32, #tpu.memory_space<vmem>>, vector<128x1xf32>,
      %swap3A_38 = arith.constant 0 : index
      %swap3A_39 = arith.constant 0 : index
      %swap3A_40 = vector.load %arg8[%swap3A_38, %swap3A_39] : memref<128x1xf32, #tpu.memory_space<vmem>>, vector<128x1xf32>
      tpu.vector_store %arg8[%swap3A_38, %swap3A_39], %broadcast_in_dim3A_26 {strides = array<i32>} : memref<128x1xf32, #tpu.memory_space<vmem>>, vector<128x1xf32>,
    } else {
    }
    %not3A = arith.constant true
    %not3A_31 = arith.xori %and3A, %not3A : i1
    %convert_element_type3A_32 = arith.extui %not3A_31 : i1 to i32
    %cond3A_33 = arith.constant 0 : i32
    %cond3A_34 = arith.cmpi ne, %convert_element_type3A_32, %cond3A_33 : i32
    scf.if %cond3A_34 {
      %get3A_35 = arith.constant 0 : index
      %get3A_36 = arith.constant 0 : index
      %get3A_37 = vector.load %arg7[%get3A_35, %get3A_36] : memref<128x1xf32, #tpu.memory_space<vmem>>, vector<128x1xf32>
      %add3A_38 = arith.addf %get3A_37, %broadcast_in_dim3A : vector<128x1xf32>
      %swap3A_39 = arith.constant 0 : index
      %swap3A_40 = arith.constant 0 : index
      %swap3A_41 = vector.load %arg7[%swap3A_39, %swap3A_40] : memref<128x1xf32, #tpu.memory_space<vmem>>, vector<128x1xf32>
      tpu.vector_store %arg7[%swap3A_39, %swap3A_40], %add3A_38 {strides = array<i32>} : memref<128x1xf32, #tpu.memory_space<vmem>>, vector<128x1xf32>,
      %get3A_42 = arith.constant 0 : index
      %get3A_43 = arith.constant 0 : index
      %get3A_44 = vector.load %arg8[%get3A_42, %get3A_43] : memref<128x1xf32, #tpu.memory_space<vmem>>, vector<128x1xf32>
      %add3A_45 = arith.addf %get3A_44, %broadcast_in_dim3A_26 : vector<128x1xf32>
      %swap3A_46 = arith.constant 0 : index
      %swap3A_47 = arith.constant 0 : index
      %swap3A_48 = vector.load %arg8[%swap3A_46, %swap3A_47] : memref<128x1xf32, #tpu.memory_space<vmem>>, vector<128x1xf32>
      tpu.vector_store %arg8[%swap3A_46, %swap3A_47], %add3A_45 {strides = array<i32>} : memref<128x1xf32, #tpu.memory_space<vmem>>, vector<128x1xf32>,
    } else {
    }
    return
  }
  func.func @transform_0(%arg0: i32, %arg1: i32) -> (i32, i32, i32) {
    %c0_i32 = arith.constant 0 : i32
    %c0_i32_0 = arith.constant 0 : i32
    return %arg0, %c0_i32, %arg1 : i32, i32, i32
  }
  func.func @transform_1(%arg0: i32, %arg1: i32) -> (i32, i32, i32) {
    %c0_i32 = arith.constant 0 : i32
    %c0_i32_0 = arith.constant 0 : i32
    return %arg0, %c0_i32, %arg1 : i32, i32, i32
  }
  func.func @transform_2(%arg0: i32, %arg1: i32) -> (i32, i32, i32) {
    %c0_i32 = arith.constant 0 : i32
    %c0_i32_0 = arith.constant 0 : i32
    return %arg0, %c0_i32, %arg1 : i32, i32, i32
  }
  func.func @transform_3(%arg0: i32, %arg1: i32) -> (i32, i32) {
    %c0_i32 = arith.constant 0 : i32
    %c0_i32_0 = arith.constant 0 : i32
    %c0_i32_1 = arith.constant 0 : i32
    return %c0_i32, %c0_i32_0 : i32, i32
  }
  func.func @transform_4(%arg0: i32, %arg1: i32) -> (i32, i32, i32) {
    %c0_i32 = arith.constant 0 : i32
    %c0_i32_0 = arith.constant 0 : i32
    return %arg0, %c0_i32, %arg1 : i32, i32, i32
  }
  func.func @transform_5(%arg0: i32, %arg1: i32) -> (i32, i32) {
    %c0_i32 = arith.constant 0 : i32
    %c0_i32_0 = arith.constant 0 : i32
    %c0_i32_1 = arith.constant 0 : i32
    return %c0_i32, %c0_i32_0 : i32, i32
  }
  func.func @transform_6(%arg0: i32, %arg1: i32) -> (i32, i32) {
    %c0_i32 = arith.constant 0 : i32
    %c0_i32_0 = arith.constant 0 : i32
    %c0_i32_1 = arith.constant 0 : i32
    return %c0_i32, %c0_i32_0 : i32, i32
  }
}

module attributes {stable_mosaic.version = 14 : i64} {
  func.func @_knn_body(%arg0: i32, %arg1: i32, %arg2: memref<1x128x2048xf32, #tpu.memory_space<vmem>>, %arg3: memref<1x128x256xf32, #tpu.memory_space<vmem>>, %arg4: memref<128x1xf32, #tpu.memory_space<vmem>>, %arg5: memref<128x1xf32, #tpu.memory_space<vmem>>, %arg6: memref<1x256x8xi32, #tpu.memory_space<vmem>>, %arg7: memref<1x256x128xf32, #tpu.memory_space<vmem>>) attributes {dimension_semantics = [#tpu.dimension_semantics<arbitrary>, #tpu.dimension_semantics<arbitrary>], iteration_bounds = array<i64: 8, 8>, scalar_prefetch = 0 : i64, scratch_operands = 0 : i64, tpu.core_type = #tpu.core_type<tc>, window_params = [{transform_indices = @transform_0, window_bounds = array<i64: 1, 128, 2048>}, {transform_indices = @transform_1, window_bounds = array<i64: 1, 128, 256>}, {pipeline_mode = #tpu.pipeline_mode<synchronous>, transform_indices = @transform_2, window_bounds = array<i64: 128, 1>}, {pipeline_mode = #tpu.pipeline_mode<synchronous>, transform_indices = @transform_3, window_bounds = array<i64: 128, 1>}, {transform_indices = @transform_4, window_bounds = array<i64: 1, 256, 8>}, {transform_indices = @transform_5, window_bounds = array<i64: 1, 256, 128>}]} {
    %get3A = arith.constant 0 : index
    %get3A_0 = arith.constant 0 : index
    %get3A_1 = arith.constant 0 : index
    %get3A_2 = vector.load %arg2[%get3A, %get3A_0, %get3A_1] : memref<1x128x2048xf32, #tpu.memory_space<vmem>>, vector<1x128x2048xf32>
    %get3A_3 = vector.shape_cast %get3A_2 : vector<1x128x2048xf32> to vector<128x2048xf32>
    %get3A_4 = arith.constant 0 : index
    %get3A_5 = arith.constant 0 : index
    %get3A_6 = vector.load %arg4[%get3A_4, %get3A_5] : memref<128x1xf32, #tpu.memory_space<vmem>>, vector<128x1xf32>
    %mul3A = vector.broadcast %get3A_6 : vector<128x1xf32> to vector<128x2048xf32>
    %mul3A_7 = arith.mulf %get3A_3, %mul3A : vector<128x2048xf32>
    %get3A_8 = arith.constant 0 : index
    %get3A_9 = arith.constant 0 : index
    %get3A_10 = vector.load %arg5[%get3A_8, %get3A_9] : memref<128x1xf32, #tpu.memory_space<vmem>>, vector<128x1xf32>
    %add3A = vector.broadcast %get3A_10 : vector<128x1xf32> to vector<128x2048xf32>
    %add3A_11 = arith.addf %mul3A_7, %add3A : vector<128x2048xf32>
    %mul3A_12 = arith.constant 2.000000e-01 : f32
    %mul3A_13 = vector.broadcast %mul3A_12 : f32 to vector<128x2048xf32>
    %mul3A_14 = arith.mulf %mul3A_13, %add3A_11 : vector<128x2048xf32>
    %max3A = arith.maximumf %add3A_11, %mul3A_14 : vector<128x2048xf32>
    %get3A_15 = arith.constant 0 : index
    %get3A_16 = arith.constant 0 : index
    %get3A_17 = arith.constant 0 : index
    %get3A_18 = vector.load %arg3[%get3A_15, %get3A_16, %get3A_17] : memref<1x128x256xf32, #tpu.memory_space<vmem>>, vector<1x128x256xf32>
    %get3A_19 = vector.shape_cast %get3A_18 : vector<1x128x256xf32> to vector<128x256xf32>
    %get3A_20 = arith.constant 0 : index
    %get3A_21 = arith.constant 0 : index
    %get3A_22 = vector.load %arg4[%get3A_20, %get3A_21] : memref<128x1xf32, #tpu.memory_space<vmem>>, vector<128x1xf32>
    %mul3A_23 = vector.broadcast %get3A_22 : vector<128x1xf32> to vector<128x256xf32>
    %mul3A_24 = arith.mulf %get3A_19, %mul3A_23 : vector<128x256xf32>
    %get3A_25 = arith.constant 0 : index
    %get3A_26 = arith.constant 0 : index
    %get3A_27 = vector.load %arg5[%get3A_25, %get3A_26] : memref<128x1xf32, #tpu.memory_space<vmem>>, vector<128x1xf32>
    %add3A_28 = vector.broadcast %get3A_27 : vector<128x1xf32> to vector<128x256xf32>
    %add3A_29 = arith.addf %mul3A_24, %add3A_28 : vector<128x256xf32>
    %mul3A_30 = arith.constant 2.000000e-01 : f32
    %mul3A_31 = vector.broadcast %mul3A_30 : f32 to vector<128x256xf32>
    %mul3A_32 = arith.mulf %mul3A_31, %add3A_29 : vector<128x256xf32>
    %max3A_33 = arith.maximumf %add3A_29, %mul3A_32 : vector<128x256xf32>
    %transpose3A = tpu.transpose %max3A_33, [1, 0] : vector<128x256xf32> -> vector<256x128xf32>
    %dot_general3A = arith.constant dense<0.000000e+00> : vector<256x2048xf32>
    %dot_general3A_34 = tpu.matmul %transpose3A, %max3A, %dot_general3A {dimension_numbers = #tpu.dot_dimension_numbers<[1], [0], [0], [1], [0, 0, 1, 1], [], []>, transpose_lhs_hint = false} : vector<256x128xf32>, vector<128x2048xf32>, vector<256x2048xf32> -> vector<256x2048xf32>
    %mul3A_35 = arith.mulf %max3A, %max3A : vector<128x2048xf32>
    %reduce_sum3A = arith.constant dense<0.000000e+00> : vector<2048xf32>
    %reduce_sum3A_36 = vector.multi_reduction <add>, %mul3A_35, %reduce_sum3A [0] : vector<128x2048xf32> to vector<2048xf32>
    %broadcast_in_dim3A = vector.shape_cast %reduce_sum3A_36 : vector<2048xf32> to vector<1x2048xf32>
    %mul3A_37 = arith.mulf %transpose3A, %transpose3A : vector<256x128xf32>
    %reduce_sum3A_38 = arith.constant dense<0.000000e+00> : vector<256xf32>
    %reduce_sum3A_39 = vector.multi_reduction <add>, %mul3A_37, %reduce_sum3A_38 [1] : vector<256x128xf32> to vector<256xf32>
    %broadcast_in_dim3A_40 = vector.shape_cast %reduce_sum3A_39 : vector<256xf32> to vector<256x1xf32>
    %mul3A_41 = arith.constant 2.000000e+00 : f32
    %mul3A_42 = vector.broadcast %mul3A_41 : f32 to vector<256x2048xf32>
    %mul3A_43 = arith.mulf %mul3A_42, %dot_general3A_34 : vector<256x2048xf32>
    %sub3A = vector.broadcast %broadcast_in_dim3A_40 : vector<256x1xf32> to vector<256x2048xf32>
    %sub3A_44 = arith.subf %mul3A_43, %sub3A : vector<256x2048xf32>
    %sub3A_45 = vector.broadcast %broadcast_in_dim3A : vector<1x2048xf32> to vector<256x2048xf32>
    %sub3A_46 = arith.subf %sub3A_44, %sub3A_45 : vector<256x2048xf32>
    %iota3A = tpu.iota {dimensions = array<i32: 1>} : vector<256x2048xi32>
    %iota3A_47 = tpu.iota {dimensions = array<i32: 1>} : vector<256x8xi32>
    %broadcast_in_dim3A_48 = arith.constant 0 : i32
    %broadcast_in_dim3A_49 = vector.broadcast %broadcast_in_dim3A_48 : i32 to vector<256x8xi32>
    %reduce_max3A = arith.constant dense<0xFF800000> : vector<256xf32>
    %reduce_max3A_50 = vector.multi_reduction <maximumf>, %sub3A_46, %reduce_max3A [1] : vector<256x2048xf32> to vector<256xf32>
    %broadcast_in_dim3A_51 = vector.shape_cast %reduce_max3A_50 : vector<256xf32> to vector<256x1xf32>
    %eq3A = vector.broadcast %broadcast_in_dim3A_51 : vector<256x1xf32> to vector<256x2048xf32>
    %eq3A_52 = arith.cmpf oeq, %sub3A_46, %eq3A : vector<256x2048xf32>
    %jit3A = arith.constant 2048 : i32
    %broadcast_in_dim3A_53 = vector.broadcast %jit3A : i32 to vector<256x2048xi32>
    %select_n3A = arith.select %eq3A_52, %iota3A, %broadcast_in_dim3A_53 : vector<256x2048xi1>, vector<256x2048xi32>
    %reduce_min3A = arith.constant dense<2147483647> : vector<256xi32>
    %reduce_min3A_54 = vector.multi_reduction <minsi>, %select_n3A, %reduce_min3A [1] : vector<256x2048xi32> to vector<256xi32>
    %broadcast_in_dim3A_55 = vector.shape_cast %reduce_min3A_54 : vector<256xi32> to vector<256x1xi32>
    %eq3A_56 = arith.constant 0 : i32
    %eq3A_57 = vector.broadcast %eq3A_56 : i32 to vector<256x8xi32>
    %eq3A_58 = arith.cmpi eq, %iota3A_47, %eq3A_57 : vector<256x8xi32>
    %broadcast_in_dim3A_59 = vector.shape_cast %broadcast_in_dim3A_55 : vector<256x1xi32> to vector<256x1xi32>
    %broadcast_in_dim3A_60 = vector.broadcast %broadcast_in_dim3A_59 : vector<256x1xi32> to vector<256x8xi32>
    %select_n3A_61 = arith.select %eq3A_58, %broadcast_in_dim3A_60, %broadcast_in_dim3A_49 : vector<256x8xi1>, vector<256x8xi32>
    %eq3A_62 = vector.broadcast %broadcast_in_dim3A_55 : vector<256x1xi32> to vector<256x2048xi32>
    %eq3A_63 = arith.cmpi eq, %iota3A, %eq3A_62 : vector<256x2048xi32>
    %jit3A_64 = arith.constant 0xFF800000 : f32
    %broadcast_in_dim3A_65 = vector.broadcast %jit3A_64 : f32 to vector<256x2048xf32>
    %select_n3A_66 = arith.select %eq3A_63, %broadcast_in_dim3A_65, %sub3A_46 : vector<256x2048xi1>, vector<256x2048xf32>
    %reduce_max3A_67 = arith.constant dense<0xFF800000> : vector<256xf32>
    %reduce_max3A_68 = vector.multi_reduction <maximumf>, %select_n3A_66, %reduce_max3A_67 [1] : vector<256x2048xf32> to vector<256xf32>
    %broadcast_in_dim3A_69 = vector.shape_cast %reduce_max3A_68 : vector<256xf32> to vector<256x1xf32>
    %eq3A_70 = vector.broadcast %broadcast_in_dim3A_69 : vector<256x1xf32> to vector<256x2048xf32>
    %eq3A_71 = arith.cmpf oeq, %select_n3A_66, %eq3A_70 : vector<256x2048xf32>
    %jit3A_72 = arith.constant 2048 : i32
    %broadcast_in_dim3A_73 = vector.broadcast %jit3A_72 : i32 to vector<256x2048xi32>
    %select_n3A_74 = arith.select %eq3A_71, %iota3A, %broadcast_in_dim3A_73 : vector<256x2048xi1>, vector<256x2048xi32>
    %reduce_min3A_75 = arith.constant dense<2147483647> : vector<256xi32>
    %reduce_min3A_76 = vector.multi_reduction <minsi>, %select_n3A_74, %reduce_min3A_75 [1] : vector<256x2048xi32> to vector<256xi32>
    %broadcast_in_dim3A_77 = vector.shape_cast %reduce_min3A_76 : vector<256xi32> to vector<256x1xi32>
    %eq3A_78 = arith.constant 1 : i32
    %eq3A_79 = vector.broadcast %eq3A_78 : i32 to vector<256x8xi32>
    %eq3A_80 = arith.cmpi eq, %iota3A_47, %eq3A_79 : vector<256x8xi32>
    %broadcast_in_dim3A_81 = vector.shape_cast %broadcast_in_dim3A_77 : vector<256x1xi32> to vector<256x1xi32>
    %broadcast_in_dim3A_82 = vector.broadcast %broadcast_in_dim3A_81 : vector<256x1xi32> to vector<256x8xi32>
    %select_n3A_83 = arith.select %eq3A_80, %broadcast_in_dim3A_82, %select_n3A_61 : vector<256x8xi1>, vector<256x8xi32>
    %eq3A_84 = vector.broadcast %broadcast_in_dim3A_77 : vector<256x1xi32> to vector<256x2048xi32>
    %eq3A_85 = arith.cmpi eq, %iota3A, %eq3A_84 : vector<256x2048xi32>
    %jit3A_86 = arith.constant 0xFF800000 : f32
    %broadcast_in_dim3A_87 = vector.broadcast %jit3A_86 : f32 to vector<256x2048xf32>
    %select_n3A_88 = arith.select %eq3A_85, %broadcast_in_dim3A_87, %select_n3A_66 : vector<256x2048xi1>, vector<256x2048xf32>
    %reduce_max3A_89 = arith.constant dense<0xFF800000> : vector<256xf32>
    %reduce_max3A_90 = vector.multi_reduction <maximumf>, %select_n3A_88, %reduce_max3A_89 [1] : vector<256x2048xf32> to vector<256xf32>
    %broadcast_in_dim3A_91 = vector.shape_cast %reduce_max3A_90 : vector<256xf32> to vector<256x1xf32>
    %eq3A_92 = vector.broadcast %broadcast_in_dim3A_91 : vector<256x1xf32> to vector<256x2048xf32>
    %eq3A_93 = arith.cmpf oeq, %select_n3A_88, %eq3A_92 : vector<256x2048xf32>
    %jit3A_94 = arith.constant 2048 : i32
    %broadcast_in_dim3A_95 = vector.broadcast %jit3A_94 : i32 to vector<256x2048xi32>
    %select_n3A_96 = arith.select %eq3A_93, %iota3A, %broadcast_in_dim3A_95 : vector<256x2048xi1>, vector<256x2048xi32>
    %reduce_min3A_97 = arith.constant dense<2147483647> : vector<256xi32>
    %reduce_min3A_98 = vector.multi_reduction <minsi>, %select_n3A_96, %reduce_min3A_97 [1] : vector<256x2048xi32> to vector<256xi32>
    %broadcast_in_dim3A_99 = vector.shape_cast %reduce_min3A_98 : vector<256xi32> to vector<256x1xi32>
    %eq3A_100 = arith.constant 2 : i32
    %eq3A_101 = vector.broadcast %eq3A_100 : i32 to vector<256x8xi32>
    %eq3A_102 = arith.cmpi eq, %iota3A_47, %eq3A_101 : vector<256x8xi32>
    %broadcast_in_dim3A_103 = vector.shape_cast %broadcast_in_dim3A_99 : vector<256x1xi32> to vector<256x1xi32>
    %broadcast_in_dim3A_104 = vector.broadcast %broadcast_in_dim3A_103 : vector<256x1xi32> to vector<256x8xi32>
    %select_n3A_105 = arith.select %eq3A_102, %broadcast_in_dim3A_104, %select_n3A_83 : vector<256x8xi1>, vector<256x8xi32>
    %eq3A_106 = vector.broadcast %broadcast_in_dim3A_99 : vector<256x1xi32> to vector<256x2048xi32>
    %eq3A_107 = arith.cmpi eq, %iota3A, %eq3A_106 : vector<256x2048xi32>
    %jit3A_108 = arith.constant 0xFF800000 : f32
    %broadcast_in_dim3A_109 = vector.broadcast %jit3A_108 : f32 to vector<256x2048xf32>
    %select_n3A_110 = arith.select %eq3A_107, %broadcast_in_dim3A_109, %select_n3A_88 : vector<256x2048xi1>, vector<256x2048xf32>
    %reduce_max3A_111 = arith.constant dense<0xFF800000> : vector<256xf32>
    %reduce_max3A_112 = vector.multi_reduction <maximumf>, %select_n3A_110, %reduce_max3A_111 [1] : vector<256x2048xf32> to vector<256xf32>
    %broadcast_in_dim3A_113 = vector.shape_cast %reduce_max3A_112 : vector<256xf32> to vector<256x1xf32>
    %eq3A_114 = vector.broadcast %broadcast_in_dim3A_113 : vector<256x1xf32> to vector<256x2048xf32>
    %eq3A_115 = arith.cmpf oeq, %select_n3A_110, %eq3A_114 : vector<256x2048xf32>
    %jit3A_116 = arith.constant 2048 : i32
    %broadcast_in_dim3A_117 = vector.broadcast %jit3A_116 : i32 to vector<256x2048xi32>
    %select_n3A_118 = arith.select %eq3A_115, %iota3A, %broadcast_in_dim3A_117 : vector<256x2048xi1>, vector<256x2048xi32>
    %reduce_min3A_119 = arith.constant dense<2147483647> : vector<256xi32>
    %reduce_min3A_120 = vector.multi_reduction <minsi>, %select_n3A_118, %reduce_min3A_119 [1] : vector<256x2048xi32> to vector<256xi32>
    %broadcast_in_dim3A_121 = vector.shape_cast %reduce_min3A_120 : vector<256xi32> to vector<256x1xi32>
    %eq3A_122 = arith.constant 3 : i32
    %eq3A_123 = vector.broadcast %eq3A_122 : i32 to vector<256x8xi32>
    %eq3A_124 = arith.cmpi eq, %iota3A_47, %eq3A_123 : vector<256x8xi32>
    %broadcast_in_dim3A_125 = vector.shape_cast %broadcast_in_dim3A_121 : vector<256x1xi32> to vector<256x1xi32>
    %broadcast_in_dim3A_126 = vector.broadcast %broadcast_in_dim3A_125 : vector<256x1xi32> to vector<256x8xi32>
    %select_n3A_127 = arith.select %eq3A_124, %broadcast_in_dim3A_126, %select_n3A_105 : vector<256x8xi1>, vector<256x8xi32>
    %eq3A_128 = vector.broadcast %broadcast_in_dim3A_121 : vector<256x1xi32> to vector<256x2048xi32>
    %eq3A_129 = arith.cmpi eq, %iota3A, %eq3A_128 : vector<256x2048xi32>
    %jit3A_130 = arith.constant 0xFF800000 : f32
    %broadcast_in_dim3A_131 = vector.broadcast %jit3A_130 : f32 to vector<256x2048xf32>
    %select_n3A_132 = arith.select %eq3A_129, %broadcast_in_dim3A_131, %select_n3A_110 : vector<256x2048xi1>, vector<256x2048xf32>
    %reduce_max3A_133 = arith.constant dense<0xFF800000> : vector<256xf32>
    %reduce_max3A_134 = vector.multi_reduction <maximumf>, %select_n3A_132, %reduce_max3A_133 [1] : vector<256x2048xf32> to vector<256xf32>
    %broadcast_in_dim3A_135 = vector.shape_cast %reduce_max3A_134 : vector<256xf32> to vector<256x1xf32>
    %eq3A_136 = vector.broadcast %broadcast_in_dim3A_135 : vector<256x1xf32> to vector<256x2048xf32>
    %eq3A_137 = arith.cmpf oeq, %select_n3A_132, %eq3A_136 : vector<256x2048xf32>
    %jit3A_138 = arith.constant 2048 : i32
    %broadcast_in_dim3A_139 = vector.broadcast %jit3A_138 : i32 to vector<256x2048xi32>
    %select_n3A_140 = arith.select %eq3A_137, %iota3A, %broadcast_in_dim3A_139 : vector<256x2048xi1>, vector<256x2048xi32>
    %reduce_min3A_141 = arith.constant dense<2147483647> : vector<256xi32>
    %reduce_min3A_142 = vector.multi_reduction <minsi>, %select_n3A_140, %reduce_min3A_141 [1] : vector<256x2048xi32> to vector<256xi32>
    %broadcast_in_dim3A_143 = vector.shape_cast %reduce_min3A_142 : vector<256xi32> to vector<256x1xi32>
    %eq3A_144 = arith.constant 4 : i32
    %eq3A_145 = vector.broadcast %eq3A_144 : i32 to vector<256x8xi32>
    %eq3A_146 = arith.cmpi eq, %iota3A_47, %eq3A_145 : vector<256x8xi32>
    %broadcast_in_dim3A_147 = vector.shape_cast %broadcast_in_dim3A_143 : vector<256x1xi32> to vector<256x1xi32>
    %broadcast_in_dim3A_148 = vector.broadcast %broadcast_in_dim3A_147 : vector<256x1xi32> to vector<256x8xi32>
    %select_n3A_149 = arith.select %eq3A_146, %broadcast_in_dim3A_148, %select_n3A_127 : vector<256x8xi1>, vector<256x8xi32>
    %eq3A_150 = vector.broadcast %broadcast_in_dim3A_143 : vector<256x1xi32> to vector<256x2048xi32>
    %eq3A_151 = arith.cmpi eq, %iota3A, %eq3A_150 : vector<256x2048xi32>
    %jit3A_152 = arith.constant 0xFF800000 : f32
    %broadcast_in_dim3A_153 = vector.broadcast %jit3A_152 : f32 to vector<256x2048xf32>
    %select_n3A_154 = arith.select %eq3A_151, %broadcast_in_dim3A_153, %select_n3A_132 : vector<256x2048xi1>, vector<256x2048xf32>
    %reduce_max3A_155 = arith.constant dense<0xFF800000> : vector<256xf32>
    %reduce_max3A_156 = vector.multi_reduction <maximumf>, %select_n3A_154, %reduce_max3A_155 [1] : vector<256x2048xf32> to vector<256xf32>
    %broadcast_in_dim3A_157 = vector.shape_cast %reduce_max3A_156 : vector<256xf32> to vector<256x1xf32>
    %eq3A_158 = vector.broadcast %broadcast_in_dim3A_157 : vector<256x1xf32> to vector<256x2048xf32>
    %eq3A_159 = arith.cmpf oeq, %select_n3A_154, %eq3A_158 : vector<256x2048xf32>
    %jit3A_160 = arith.constant 2048 : i32
    %broadcast_in_dim3A_161 = vector.broadcast %jit3A_160 : i32 to vector<256x2048xi32>
    %select_n3A_162 = arith.select %eq3A_159, %iota3A, %broadcast_in_dim3A_161 : vector<256x2048xi1>, vector<256x2048xi32>
    %reduce_min3A_163 = arith.constant dense<2147483647> : vector<256xi32>
    %reduce_min3A_164 = vector.multi_reduction <minsi>, %select_n3A_162, %reduce_min3A_163 [1] : vector<256x2048xi32> to vector<256xi32>
    %broadcast_in_dim3A_165 = vector.shape_cast %reduce_min3A_164 : vector<256xi32> to vector<256x1xi32>
    %eq3A_166 = arith.constant 5 : i32
    %eq3A_167 = vector.broadcast %eq3A_166 : i32 to vector<256x8xi32>
    %eq3A_168 = arith.cmpi eq, %iota3A_47, %eq3A_167 : vector<256x8xi32>
    %broadcast_in_dim3A_169 = vector.shape_cast %broadcast_in_dim3A_165 : vector<256x1xi32> to vector<256x1xi32>
    %broadcast_in_dim3A_170 = vector.broadcast %broadcast_in_dim3A_169 : vector<256x1xi32> to vector<256x8xi32>
    %select_n3A_171 = arith.select %eq3A_168, %broadcast_in_dim3A_170, %select_n3A_149 : vector<256x8xi1>, vector<256x8xi32>
    %eq3A_172 = vector.broadcast %broadcast_in_dim3A_165 : vector<256x1xi32> to vector<256x2048xi32>
    %eq3A_173 = arith.cmpi eq, %iota3A, %eq3A_172 : vector<256x2048xi32>
    %jit3A_174 = arith.constant 0xFF800000 : f32
    %broadcast_in_dim3A_175 = vector.broadcast %jit3A_174 : f32 to vector<256x2048xf32>
    %select_n3A_176 = arith.select %eq3A_173, %broadcast_in_dim3A_175, %select_n3A_154 : vector<256x2048xi1>, vector<256x2048xf32>
    %reduce_max3A_177 = arith.constant dense<0xFF800000> : vector<256xf32>
    %reduce_max3A_178 = vector.multi_reduction <maximumf>, %select_n3A_176, %reduce_max3A_177 [1] : vector<256x2048xf32> to vector<256xf32>
    %broadcast_in_dim3A_179 = vector.shape_cast %reduce_max3A_178 : vector<256xf32> to vector<256x1xf32>
    %eq3A_180 = vector.broadcast %broadcast_in_dim3A_179 : vector<256x1xf32> to vector<256x2048xf32>
    %eq3A_181 = arith.cmpf oeq, %select_n3A_176, %eq3A_180 : vector<256x2048xf32>
    %jit3A_182 = arith.constant 2048 : i32
    %broadcast_in_dim3A_183 = vector.broadcast %jit3A_182 : i32 to vector<256x2048xi32>
    %select_n3A_184 = arith.select %eq3A_181, %iota3A, %broadcast_in_dim3A_183 : vector<256x2048xi1>, vector<256x2048xi32>
    %reduce_min3A_185 = arith.constant dense<2147483647> : vector<256xi32>
    %reduce_min3A_186 = vector.multi_reduction <minsi>, %select_n3A_184, %reduce_min3A_185 [1] : vector<256x2048xi32> to vector<256xi32>
    %broadcast_in_dim3A_187 = vector.shape_cast %reduce_min3A_186 : vector<256xi32> to vector<256x1xi32>
    %eq3A_188 = arith.constant 6 : i32
    %eq3A_189 = vector.broadcast %eq3A_188 : i32 to vector<256x8xi32>
    %eq3A_190 = arith.cmpi eq, %iota3A_47, %eq3A_189 : vector<256x8xi32>
    %broadcast_in_dim3A_191 = vector.shape_cast %broadcast_in_dim3A_187 : vector<256x1xi32> to vector<256x1xi32>
    %broadcast_in_dim3A_192 = vector.broadcast %broadcast_in_dim3A_191 : vector<256x1xi32> to vector<256x8xi32>
    %select_n3A_193 = arith.select %eq3A_190, %broadcast_in_dim3A_192, %select_n3A_171 : vector<256x8xi1>, vector<256x8xi32>
    %eq3A_194 = vector.broadcast %broadcast_in_dim3A_187 : vector<256x1xi32> to vector<256x2048xi32>
    %eq3A_195 = arith.cmpi eq, %iota3A, %eq3A_194 : vector<256x2048xi32>
    %jit3A_196 = arith.constant 0xFF800000 : f32
    %broadcast_in_dim3A_197 = vector.broadcast %jit3A_196 : f32 to vector<256x2048xf32>
    %select_n3A_198 = arith.select %eq3A_195, %broadcast_in_dim3A_197, %select_n3A_176 : vector<256x2048xi1>, vector<256x2048xf32>
    %reduce_max3A_199 = arith.constant dense<0xFF800000> : vector<256xf32>
    %reduce_max3A_200 = vector.multi_reduction <maximumf>, %select_n3A_198, %reduce_max3A_199 [1] : vector<256x2048xf32> to vector<256xf32>
    %broadcast_in_dim3A_201 = vector.shape_cast %reduce_max3A_200 : vector<256xf32> to vector<256x1xf32>
    %eq3A_202 = vector.broadcast %broadcast_in_dim3A_201 : vector<256x1xf32> to vector<256x2048xf32>
    %eq3A_203 = arith.cmpf oeq, %select_n3A_198, %eq3A_202 : vector<256x2048xf32>
    %jit3A_204 = arith.constant 2048 : i32
    %broadcast_in_dim3A_205 = vector.broadcast %jit3A_204 : i32 to vector<256x2048xi32>
    %select_n3A_206 = arith.select %eq3A_203, %iota3A, %broadcast_in_dim3A_205 : vector<256x2048xi1>, vector<256x2048xi32>
    %reduce_min3A_207 = arith.constant dense<2147483647> : vector<256xi32>
    %reduce_min3A_208 = vector.multi_reduction <minsi>, %select_n3A_206, %reduce_min3A_207 [1] : vector<256x2048xi32> to vector<256xi32>
    %broadcast_in_dim3A_209 = vector.shape_cast %reduce_min3A_208 : vector<256xi32> to vector<256x1xi32>
    %eq3A_210 = arith.constant 7 : i32
    %eq3A_211 = vector.broadcast %eq3A_210 : i32 to vector<256x8xi32>
    %eq3A_212 = arith.cmpi eq, %iota3A_47, %eq3A_211 : vector<256x8xi32>
    %broadcast_in_dim3A_213 = vector.shape_cast %broadcast_in_dim3A_209 : vector<256x1xi32> to vector<256x1xi32>
    %broadcast_in_dim3A_214 = vector.broadcast %broadcast_in_dim3A_213 : vector<256x1xi32> to vector<256x8xi32>
    %select_n3A_215 = arith.select %eq3A_212, %broadcast_in_dim3A_214, %select_n3A_193 : vector<256x8xi1>, vector<256x8xi32>
    %mul3A_216 = arith.constant 2048 : i32
    %mul3A_217 = arith.muli %arg0, %mul3A_216 : i32
    %add3A_218 = vector.broadcast %mul3A_217 : i32 to vector<256x8xi32>
    %add3A_219 = arith.addi %select_n3A_215, %add3A_218 : vector<256x8xi32>
    %swap3A = arith.constant 0 : index
    %swap3A_220 = arith.constant 0 : index
    %swap3A_221 = arith.constant 0 : index
    %swap3A_222 = vector.load %arg6[%swap3A, %swap3A_220, %swap3A_221] : memref<1x256x8xi32, #tpu.memory_space<vmem>>, vector<1x256x8xi32>
    %swap3A_223 = vector.shape_cast %swap3A_222 : vector<1x256x8xi32> to vector<256x8xi32>
    %swap3A_224 = vector.shape_cast %add3A_219 : vector<256x8xi32> to vector<1x256x8xi32>
    tpu.vector_store %arg6[%swap3A, %swap3A_220, %swap3A_221], %swap3A_224 {strides = array<i32>} : memref<1x256x8xi32, #tpu.memory_space<vmem>>, vector<1x256x8xi32>,
    %swap3A_225 = arith.constant 0 : index
    %swap3A_226 = arith.constant 0 : index
    %swap3A_227 = arith.constant 0 : index
    %swap3A_228 = vector.load %arg7[%swap3A_225, %swap3A_226, %swap3A_227] : memref<1x256x128xf32, #tpu.memory_space<vmem>>, vector<1x256x128xf32>
    %swap3A_229 = vector.shape_cast %swap3A_228 : vector<1x256x128xf32> to vector<256x128xf32>
    %swap3A_230 = vector.shape_cast %transpose3A : vector<256x128xf32> to vector<1x256x128xf32>
    tpu.vector_store %arg7[%swap3A_225, %swap3A_226, %swap3A_227], %swap3A_230 {strides = array<i32>} : memref<1x256x128xf32, #tpu.memory_space<vmem>>, vector<1x256x128xf32>,
    return
  }
  func.func @transform_0(%arg0: i32, %arg1: i32) -> (i32, i32, i32) {
    %c0_i32 = arith.constant 0 : i32
    %c0_i32_0 = arith.constant 0 : i32
    %c0_i32_1 = arith.constant 0 : i32
    return %arg0, %c0_i32, %c0_i32_0 : i32, i32, i32
  }
  func.func @transform_1(%arg0: i32, %arg1: i32) -> (i32, i32, i32) {
    %c0_i32 = arith.constant 0 : i32
    %c0_i32_0 = arith.constant 0 : i32
    return %arg0, %c0_i32, %arg1 : i32, i32, i32
  }
  func.func @transform_2(%arg0: i32, %arg1: i32) -> (i32, i32) {
    %c0_i32 = arith.constant 0 : i32
    %c0_i32_0 = arith.constant 0 : i32
    %c0_i32_1 = arith.constant 0 : i32
    return %c0_i32, %c0_i32_0 : i32, i32
  }
  func.func @transform_3(%arg0: i32, %arg1: i32) -> (i32, i32) {
    %c0_i32 = arith.constant 0 : i32
    %c0_i32_0 = arith.constant 0 : i32
    %c0_i32_1 = arith.constant 0 : i32
    return %c0_i32, %c0_i32_0 : i32, i32
  }
  func.func @transform_4(%arg0: i32, %arg1: i32) -> (i32, i32, i32) {
    %c0_i32 = arith.constant 0 : i32
    %c0_i32_0 = arith.constant 0 : i32
    return %arg0, %arg1, %c0_i32 : i32, i32, i32
  }
  func.func @transform_5(%arg0: i32, %arg1: i32) -> (i32, i32, i32) {
    %c0_i32 = arith.constant 0 : i32
    %c0_i32_0 = arith.constant 0 : i32
    return %arg0, %arg1, %c0_i32 : i32, i32, i32
  }
}

module attributes {stable_mosaic.version = 14 : i64} {
  func.func @_edge_body(%arg0: i32, %arg1: i32, %arg2: memref<8x1x256x128xf32, #tpu.memory_space<vmem>>, %arg3: memref<1x256x128xf32, #tpu.memory_space<vmem>>, %arg4: memref<256x64xf32, #tpu.memory_space<vmem>>, %arg5: memref<1x256x64xf32, #tpu.memory_space<vmem>>, %arg6: memref<1x64xf32, #tpu.memory_space<vmem>>, %arg7: memref<1x64xf32, #tpu.memory_space<vmem>>) attributes {dimension_semantics = [#tpu.dimension_semantics<arbitrary>, #tpu.dimension_semantics<arbitrary>], iteration_bounds = array<i64: 8, 8>, scalar_prefetch = 0 : i64, scratch_operands = 0 : i64, tpu.core_type = #tpu.core_type<tc>, window_params = [{transform_indices = @transform_0, window_bounds = array<i64: 8, 1, 256, 128>}, {transform_indices = @transform_1, window_bounds = array<i64: 1, 256, 128>}, {pipeline_mode = #tpu.pipeline_mode<synchronous>, transform_indices = @transform_2, window_bounds = array<i64: 256, 64>}, {transform_indices = @transform_3, window_bounds = array<i64: 1, 256, 64>}, {pipeline_mode = #tpu.pipeline_mode<synchronous>, transform_indices = @transform_4, window_bounds = array<i64: 1, 64>}, {pipeline_mode = #tpu.pipeline_mode<synchronous>, transform_indices = @transform_5, window_bounds = array<i64: 1, 64>}]} {
    %get3A = arith.constant 0 : index
    %get3A_0 = arith.constant 0 : index
    %get3A_1 = arith.constant 0 : index
    %get3A_2 = vector.load %arg3[%get3A, %get3A_0, %get3A_1] : memref<1x256x128xf32, #tpu.memory_space<vmem>>, vector<1x256x128xf32>
    %get3A_3 = vector.shape_cast %get3A_2 : vector<1x256x128xf32> to vector<256x128xf32>
    %get3A_4 = arith.constant 0 : index
    %get3A_5 = arith.constant 0 : index
    %get3A_6 = arith.constant 0 : index
    %get3A_7 = arith.constant 0 : index
    %get3A_8 = vector.load %arg2[%get3A_4, %get3A_5, %get3A_6, %get3A_7] : memref<8x1x256x128xf32, #tpu.memory_space<vmem>>, vector<1x1x256x128xf32>
    %get3A_9 = vector.shape_cast %get3A_8 : vector<1x1x256x128xf32> to vector<256x128xf32>
    %sub3A = arith.subf %get3A_9, %get3A_3 : vector<256x128xf32>
    %concatenate3A = tpu.concatenate %sub3A, %get3A_3 in 1 : vector<256x128xf32>, vector<256x128xf32> -> vector<256x256xf32>
    %get3A_10 = arith.constant 0 : index
    %get3A_11 = arith.constant 0 : index
    %get3A_12 = vector.load %arg4[%get3A_10, %get3A_11] : memref<256x64xf32, #tpu.memory_space<vmem>>, vector<256x64xf32>
    %dot_general3A = arith.constant dense<0.000000e+00> : vector<256x64xf32>
    %dot_general3A_13 = tpu.matmul %concatenate3A, %get3A_12, %dot_general3A {dimension_numbers = #tpu.dot_dimension_numbers<[1], [0], [0], [1], [0, 0, 1, 1], [], []>, transpose_lhs_hint = false} : vector<256x256xf32>, vector<256x64xf32>, vector<256x64xf32> -> vector<256x64xf32>
    %mul3A = arith.mulf %dot_general3A_13, %dot_general3A_13 : vector<256x64xf32>
    %get3A_14 = arith.constant 1 : index
    %get3A_15 = arith.constant 0 : index
    %get3A_16 = arith.constant 0 : index
    %get3A_17 = arith.constant 0 : index
    %get3A_18 = vector.load %arg2[%get3A_14, %get3A_15, %get3A_16, %get3A_17] : memref<8x1x256x128xf32, #tpu.memory_space<vmem>>, vector<1x1x256x128xf32>
    %get3A_19 = vector.shape_cast %get3A_18 : vector<1x1x256x128xf32> to vector<256x128xf32>
    %sub3A_20 = arith.subf %get3A_19, %get3A_3 : vector<256x128xf32>
    %concatenate3A_21 = tpu.concatenate %sub3A_20, %get3A_3 in 1 : vector<256x128xf32>, vector<256x128xf32> -> vector<256x256xf32>
    %get3A_22 = arith.constant 0 : index
    %get3A_23 = arith.constant 0 : index
    %get3A_24 = vector.load %arg4[%get3A_22, %get3A_23] : memref<256x64xf32, #tpu.memory_space<vmem>>, vector<256x64xf32>
    %dot_general3A_25 = arith.constant dense<0.000000e+00> : vector<256x64xf32>
    %dot_general3A_26 = tpu.matmul %concatenate3A_21, %get3A_24, %dot_general3A_25 {dimension_numbers = #tpu.dot_dimension_numbers<[1], [0], [0], [1], [0, 0, 1, 1], [], []>, transpose_lhs_hint = false} : vector<256x256xf32>, vector<256x64xf32>, vector<256x64xf32> -> vector<256x64xf32>
    %max3A = arith.maximumf %dot_general3A_13, %dot_general3A_26 : vector<256x64xf32>
    %add3A = arith.addf %dot_general3A_13, %dot_general3A_26 : vector<256x64xf32>
    %mul3A_27 = arith.mulf %dot_general3A_26, %dot_general3A_26 : vector<256x64xf32>
    %add3A_28 = arith.addf %mul3A, %mul3A_27 : vector<256x64xf32>
    %get3A_29 = arith.constant 2 : index
    %get3A_30 = arith.constant 0 : index
    %get3A_31 = arith.constant 0 : index
    %get3A_32 = arith.constant 0 : index
    %get3A_33 = vector.load %arg2[%get3A_29, %get3A_30, %get3A_31, %get3A_32] : memref<8x1x256x128xf32, #tpu.memory_space<vmem>>, vector<1x1x256x128xf32>
    %get3A_34 = vector.shape_cast %get3A_33 : vector<1x1x256x128xf32> to vector<256x128xf32>
    %sub3A_35 = arith.subf %get3A_34, %get3A_3 : vector<256x128xf32>
    %concatenate3A_36 = tpu.concatenate %sub3A_35, %get3A_3 in 1 : vector<256x128xf32>, vector<256x128xf32> -> vector<256x256xf32>
    %get3A_37 = arith.constant 0 : index
    %get3A_38 = arith.constant 0 : index
    %get3A_39 = vector.load %arg4[%get3A_37, %get3A_38] : memref<256x64xf32, #tpu.memory_space<vmem>>, vector<256x64xf32>
    %dot_general3A_40 = arith.constant dense<0.000000e+00> : vector<256x64xf32>
    %dot_general3A_41 = tpu.matmul %concatenate3A_36, %get3A_39, %dot_general3A_40 {dimension_numbers = #tpu.dot_dimension_numbers<[1], [0], [0], [1], [0, 0, 1, 1], [], []>, transpose_lhs_hint = false} : vector<256x256xf32>, vector<256x64xf32>, vector<256x64xf32> -> vector<256x64xf32>
    %max3A_42 = arith.maximumf %max3A, %dot_general3A_41 : vector<256x64xf32>
    %add3A_43 = arith.addf %add3A, %dot_general3A_41 : vector<256x64xf32>
    %mul3A_44 = arith.mulf %dot_general3A_41, %dot_general3A_41 : vector<256x64xf32>
    %add3A_45 = arith.addf %add3A_28, %mul3A_44 : vector<256x64xf32>
    %get3A_46 = arith.constant 3 : index
    %get3A_47 = arith.constant 0 : index
    %get3A_48 = arith.constant 0 : index
    %get3A_49 = arith.constant 0 : index
    %get3A_50 = vector.load %arg2[%get3A_46, %get3A_47, %get3A_48, %get3A_49] : memref<8x1x256x128xf32, #tpu.memory_space<vmem>>, vector<1x1x256x128xf32>
    %get3A_51 = vector.shape_cast %get3A_50 : vector<1x1x256x128xf32> to vector<256x128xf32>
    %sub3A_52 = arith.subf %get3A_51, %get3A_3 : vector<256x128xf32>
    %concatenate3A_53 = tpu.concatenate %sub3A_52, %get3A_3 in 1 : vector<256x128xf32>, vector<256x128xf32> -> vector<256x256xf32>
    %get3A_54 = arith.constant 0 : index
    %get3A_55 = arith.constant 0 : index
    %get3A_56 = vector.load %arg4[%get3A_54, %get3A_55] : memref<256x64xf32, #tpu.memory_space<vmem>>, vector<256x64xf32>
    %dot_general3A_57 = arith.constant dense<0.000000e+00> : vector<256x64xf32>
    %dot_general3A_58 = tpu.matmul %concatenate3A_53, %get3A_56, %dot_general3A_57 {dimension_numbers = #tpu.dot_dimension_numbers<[1], [0], [0], [1], [0, 0, 1, 1], [], []>, transpose_lhs_hint = false} : vector<256x256xf32>, vector<256x64xf32>, vector<256x64xf32> -> vector<256x64xf32>
    %max3A_59 = arith.maximumf %max3A_42, %dot_general3A_58 : vector<256x64xf32>
    %add3A_60 = arith.addf %add3A_43, %dot_general3A_58 : vector<256x64xf32>
    %mul3A_61 = arith.mulf %dot_general3A_58, %dot_general3A_58 : vector<256x64xf32>
    %add3A_62 = arith.addf %add3A_45, %mul3A_61 : vector<256x64xf32>
    %get3A_63 = arith.constant 4 : index
    %get3A_64 = arith.constant 0 : index
    %get3A_65 = arith.constant 0 : index
    %get3A_66 = arith.constant 0 : index
    %get3A_67 = vector.load %arg2[%get3A_63, %get3A_64, %get3A_65, %get3A_66] : memref<8x1x256x128xf32, #tpu.memory_space<vmem>>, vector<1x1x256x128xf32>
    %get3A_68 = vector.shape_cast %get3A_67 : vector<1x1x256x128xf32> to vector<256x128xf32>
    %sub3A_69 = arith.subf %get3A_68, %get3A_3 : vector<256x128xf32>
    %concatenate3A_70 = tpu.concatenate %sub3A_69, %get3A_3 in 1 : vector<256x128xf32>, vector<256x128xf32> -> vector<256x256xf32>
    %get3A_71 = arith.constant 0 : index
    %get3A_72 = arith.constant 0 : index
    %get3A_73 = vector.load %arg4[%get3A_71, %get3A_72] : memref<256x64xf32, #tpu.memory_space<vmem>>, vector<256x64xf32>
    %dot_general3A_74 = arith.constant dense<0.000000e+00> : vector<256x64xf32>
    %dot_general3A_75 = tpu.matmul %concatenate3A_70, %get3A_73, %dot_general3A_74 {dimension_numbers = #tpu.dot_dimension_numbers<[1], [0], [0], [1], [0, 0, 1, 1], [], []>, transpose_lhs_hint = false} : vector<256x256xf32>, vector<256x64xf32>, vector<256x64xf32> -> vector<256x64xf32>
    %max3A_76 = arith.maximumf %max3A_59, %dot_general3A_75 : vector<256x64xf32>
    %add3A_77 = arith.addf %add3A_60, %dot_general3A_75 : vector<256x64xf32>
    %mul3A_78 = arith.mulf %dot_general3A_75, %dot_general3A_75 : vector<256x64xf32>
    %add3A_79 = arith.addf %add3A_62, %mul3A_78 : vector<256x64xf32>
    %get3A_80 = arith.constant 5 : index
    %get3A_81 = arith.constant 0 : index
    %get3A_82 = arith.constant 0 : index
    %get3A_83 = arith.constant 0 : index
    %get3A_84 = vector.load %arg2[%get3A_80, %get3A_81, %get3A_82, %get3A_83] : memref<8x1x256x128xf32, #tpu.memory_space<vmem>>, vector<1x1x256x128xf32>
    %get3A_85 = vector.shape_cast %get3A_84 : vector<1x1x256x128xf32> to vector<256x128xf32>
    %sub3A_86 = arith.subf %get3A_85, %get3A_3 : vector<256x128xf32>
    %concatenate3A_87 = tpu.concatenate %sub3A_86, %get3A_3 in 1 : vector<256x128xf32>, vector<256x128xf32> -> vector<256x256xf32>
    %get3A_88 = arith.constant 0 : index
    %get3A_89 = arith.constant 0 : index
    %get3A_90 = vector.load %arg4[%get3A_88, %get3A_89] : memref<256x64xf32, #tpu.memory_space<vmem>>, vector<256x64xf32>
    %dot_general3A_91 = arith.constant dense<0.000000e+00> : vector<256x64xf32>
    %dot_general3A_92 = tpu.matmul %concatenate3A_87, %get3A_90, %dot_general3A_91 {dimension_numbers = #tpu.dot_dimension_numbers<[1], [0], [0], [1], [0, 0, 1, 1], [], []>, transpose_lhs_hint = false} : vector<256x256xf32>, vector<256x64xf32>, vector<256x64xf32> -> vector<256x64xf32>
    %max3A_93 = arith.maximumf %max3A_76, %dot_general3A_92 : vector<256x64xf32>
    %add3A_94 = arith.addf %add3A_77, %dot_general3A_92 : vector<256x64xf32>
    %mul3A_95 = arith.mulf %dot_general3A_92, %dot_general3A_92 : vector<256x64xf32>
    %add3A_96 = arith.addf %add3A_79, %mul3A_95 : vector<256x64xf32>
    %get3A_97 = arith.constant 6 : index
    %get3A_98 = arith.constant 0 : index
    %get3A_99 = arith.constant 0 : index
    %get3A_100 = arith.constant 0 : index
    %get3A_101 = vector.load %arg2[%get3A_97, %get3A_98, %get3A_99, %get3A_100] : memref<8x1x256x128xf32, #tpu.memory_space<vmem>>, vector<1x1x256x128xf32>
    %get3A_102 = vector.shape_cast %get3A_101 : vector<1x1x256x128xf32> to vector<256x128xf32>
    %sub3A_103 = arith.subf %get3A_102, %get3A_3 : vector<256x128xf32>
    %concatenate3A_104 = tpu.concatenate %sub3A_103, %get3A_3 in 1 : vector<256x128xf32>, vector<256x128xf32> -> vector<256x256xf32>
    %get3A_105 = arith.constant 0 : index
    %get3A_106 = arith.constant 0 : index
    %get3A_107 = vector.load %arg4[%get3A_105, %get3A_106] : memref<256x64xf32, #tpu.memory_space<vmem>>, vector<256x64xf32>
    %dot_general3A_108 = arith.constant dense<0.000000e+00> : vector<256x64xf32>
    %dot_general3A_109 = tpu.matmul %concatenate3A_104, %get3A_107, %dot_general3A_108 {dimension_numbers = #tpu.dot_dimension_numbers<[1], [0], [0], [1], [0, 0, 1, 1], [], []>, transpose_lhs_hint = false} : vector<256x256xf32>, vector<256x64xf32>, vector<256x64xf32> -> vector<256x64xf32>
    %max3A_110 = arith.maximumf %max3A_93, %dot_general3A_109 : vector<256x64xf32>
    %add3A_111 = arith.addf %add3A_94, %dot_general3A_109 : vector<256x64xf32>
    %mul3A_112 = arith.mulf %dot_general3A_109, %dot_general3A_109 : vector<256x64xf32>
    %add3A_113 = arith.addf %add3A_96, %mul3A_112 : vector<256x64xf32>
    %get3A_114 = arith.constant 7 : index
    %get3A_115 = arith.constant 0 : index
    %get3A_116 = arith.constant 0 : index
    %get3A_117 = arith.constant 0 : index
    %get3A_118 = vector.load %arg2[%get3A_114, %get3A_115, %get3A_116, %get3A_117] : memref<8x1x256x128xf32, #tpu.memory_space<vmem>>, vector<1x1x256x128xf32>
    %get3A_119 = vector.shape_cast %get3A_118 : vector<1x1x256x128xf32> to vector<256x128xf32>
    %sub3A_120 = arith.subf %get3A_119, %get3A_3 : vector<256x128xf32>
    %concatenate3A_121 = tpu.concatenate %sub3A_120, %get3A_3 in 1 : vector<256x128xf32>, vector<256x128xf32> -> vector<256x256xf32>
    %get3A_122 = arith.constant 0 : index
    %get3A_123 = arith.constant 0 : index
    %get3A_124 = vector.load %arg4[%get3A_122, %get3A_123] : memref<256x64xf32, #tpu.memory_space<vmem>>, vector<256x64xf32>
    %dot_general3A_125 = arith.constant dense<0.000000e+00> : vector<256x64xf32>
    %dot_general3A_126 = tpu.matmul %concatenate3A_121, %get3A_124, %dot_general3A_125 {dimension_numbers = #tpu.dot_dimension_numbers<[1], [0], [0], [1], [0, 0, 1, 1], [], []>, transpose_lhs_hint = false} : vector<256x256xf32>, vector<256x64xf32>, vector<256x64xf32> -> vector<256x64xf32>
    %max3A_127 = arith.maximumf %max3A_110, %dot_general3A_126 : vector<256x64xf32>
    %add3A_128 = arith.addf %add3A_111, %dot_general3A_126 : vector<256x64xf32>
    %mul3A_129 = arith.mulf %dot_general3A_126, %dot_general3A_126 : vector<256x64xf32>
    %add3A_130 = arith.addf %add3A_113, %mul3A_129 : vector<256x64xf32>
    %swap3A = arith.constant 0 : index
    %swap3A_131 = arith.constant 0 : index
    %swap3A_132 = arith.constant 0 : index
    %swap3A_133 = vector.load %arg5[%swap3A, %swap3A_131, %swap3A_132] : memref<1x256x64xf32, #tpu.memory_space<vmem>>, vector<1x256x64xf32>
    %swap3A_134 = vector.shape_cast %swap3A_133 : vector<1x256x64xf32> to vector<256x64xf32>
    %swap3A_135 = vector.shape_cast %max3A_127 : vector<256x64xf32> to vector<1x256x64xf32>
    tpu.vector_store %arg5[%swap3A, %swap3A_131, %swap3A_132], %swap3A_135 {strides = array<i32>} : memref<1x256x64xf32, #tpu.memory_space<vmem>>, vector<1x256x64xf32>,
    %reduce_sum3A = arith.constant dense<0.000000e+00> : vector<64xf32>
    %reduce_sum3A_136 = vector.multi_reduction <add>, %add3A_128, %reduce_sum3A [0] : vector<256x64xf32> to vector<64xf32>
    %broadcast_in_dim3A = vector.shape_cast %reduce_sum3A_136 : vector<64xf32> to vector<1x64xf32>
    %reduce_sum3A_137 = arith.constant dense<0.000000e+00> : vector<64xf32>
    %reduce_sum3A_138 = vector.multi_reduction <add>, %add3A_130, %reduce_sum3A_137 [0] : vector<256x64xf32> to vector<64xf32>
    %broadcast_in_dim3A_139 = vector.shape_cast %reduce_sum3A_138 : vector<64xf32> to vector<1x64xf32>
    %eq3A = arith.constant 0 : i32
    %eq3A_140 = arith.cmpi eq, %arg0, %eq3A : i32
    %eq3A_141 = arith.constant 0 : i32
    %eq3A_142 = arith.cmpi eq, %arg1, %eq3A_141 : i32
    %and3A = arith.andi %eq3A_140, %eq3A_142 : i1
    %convert_element_type3A = arith.extui %and3A : i1 to i32
    %cond3A = arith.constant 0 : i32
    %cond3A_143 = arith.cmpi ne, %convert_element_type3A, %cond3A : i32
    scf.if %cond3A_143 {
      %swap3A_148 = arith.constant 0 : index
      %swap3A_149 = arith.constant 0 : index
      %swap3A_150 = vector.load %arg6[%swap3A_148, %swap3A_149] : memref<1x64xf32, #tpu.memory_space<vmem>>, vector<1x64xf32>
      tpu.vector_store %arg6[%swap3A_148, %swap3A_149], %broadcast_in_dim3A {strides = array<i32>} : memref<1x64xf32, #tpu.memory_space<vmem>>, vector<1x64xf32>,
      %swap3A_151 = arith.constant 0 : index
      %swap3A_152 = arith.constant 0 : index
      %swap3A_153 = vector.load %arg7[%swap3A_151, %swap3A_152] : memref<1x64xf32, #tpu.memory_space<vmem>>, vector<1x64xf32>
      tpu.vector_store %arg7[%swap3A_151, %swap3A_152], %broadcast_in_dim3A_139 {strides = array<i32>} : memref<1x64xf32, #tpu.memory_space<vmem>>, vector<1x64xf32>,
    } else {
    }
    %not3A = arith.constant true
    %not3A_144 = arith.xori %and3A, %not3A : i1
    %convert_element_type3A_145 = arith.extui %not3A_144 : i1 to i32
    %cond3A_146 = arith.constant 0 : i32
    %cond3A_147 = arith.cmpi ne, %convert_element_type3A_145, %cond3A_146 : i32
    scf.if %cond3A_147 {
      %get3A_148 = arith.constant 0 : index
      %get3A_149 = arith.constant 0 : index
      %get3A_150 = vector.load %arg6[%get3A_148, %get3A_149] : memref<1x64xf32, #tpu.memory_space<vmem>>, vector<1x64xf32>
      %add3A_151 = arith.addf %get3A_150, %broadcast_in_dim3A : vector<1x64xf32>
      %swap3A_152 = arith.constant 0 : index
      %swap3A_153 = arith.constant 0 : index
      %swap3A_154 = vector.load %arg6[%swap3A_152, %swap3A_153] : memref<1x64xf32, #tpu.memory_space<vmem>>, vector<1x64xf32>
      tpu.vector_store %arg6[%swap3A_152, %swap3A_153], %add3A_151 {strides = array<i32>} : memref<1x64xf32, #tpu.memory_space<vmem>>, vector<1x64xf32>,
      %get3A_155 = arith.constant 0 : index
      %get3A_156 = arith.constant 0 : index
      %get3A_157 = vector.load %arg7[%get3A_155, %get3A_156] : memref<1x64xf32, #tpu.memory_space<vmem>>, vector<1x64xf32>
      %add3A_158 = arith.addf %get3A_157, %broadcast_in_dim3A_139 : vector<1x64xf32>
      %swap3A_159 = arith.constant 0 : index
      %swap3A_160 = arith.constant 0 : index
      %swap3A_161 = vector.load %arg7[%swap3A_159, %swap3A_160] : memref<1x64xf32, #tpu.memory_space<vmem>>, vector<1x64xf32>
      tpu.vector_store %arg7[%swap3A_159, %swap3A_160], %add3A_158 {strides = array<i32>} : memref<1x64xf32, #tpu.memory_space<vmem>>, vector<1x64xf32>,
    } else {
    }
    return
  }
  func.func @transform_0(%arg0: i32, %arg1: i32) -> (i32, i32, i32, i32) {
    %c0_i32 = arith.constant 0 : i32
    %c0_i32_0 = arith.constant 0 : i32
    %c0_i32_1 = arith.constant 0 : i32
    return %c0_i32, %arg0, %arg1, %c0_i32_0 : i32, i32, i32, i32
  }
  func.func @transform_1(%arg0: i32, %arg1: i32) -> (i32, i32, i32) {
    %c0_i32 = arith.constant 0 : i32
    %c0_i32_0 = arith.constant 0 : i32
    return %arg0, %arg1, %c0_i32 : i32, i32, i32
  }
  func.func @transform_2(%arg0: i32, %arg1: i32) -> (i32, i32) {
    %c0_i32 = arith.constant 0 : i32
    %c0_i32_0 = arith.constant 0 : i32
    %c0_i32_1 = arith.constant 0 : i32
    return %c0_i32, %c0_i32_0 : i32, i32
  }
  func.func @transform_3(%arg0: i32, %arg1: i32) -> (i32, i32, i32) {
    %c0_i32 = arith.constant 0 : i32
    %c0_i32_0 = arith.constant 0 : i32
    return %arg0, %arg1, %c0_i32 : i32, i32, i32
  }
  func.func @transform_4(%arg0: i32, %arg1: i32) -> (i32, i32) {
    %c0_i32 = arith.constant 0 : i32
    %c0_i32_0 = arith.constant 0 : i32
    %c0_i32_1 = arith.constant 0 : i32
    return %c0_i32, %c0_i32_0 : i32, i32
  }
  func.func @transform_5(%arg0: i32, %arg1: i32) -> (i32, i32) {
    %c0_i32 = arith.constant 0 : i32
    %c0_i32_0 = arith.constant 0 : i32
    %c0_i32_1 = arith.constant 0 : i32
    return %c0_i32, %c0_i32_0 : i32, i32
  }
}

module attributes {stable_mosaic.version = 14 : i64} {
  func.func @_knn_body(%arg0: i32, %arg1: i32, %arg2: memref<1x64x2048xf32, #tpu.memory_space<vmem>>, %arg3: memref<1x64x256xf32, #tpu.memory_space<vmem>>, %arg4: memref<64x1xf32, #tpu.memory_space<vmem>>, %arg5: memref<64x1xf32, #tpu.memory_space<vmem>>, %arg6: memref<1x256x8xi32, #tpu.memory_space<vmem>>, %arg7: memref<1x256x128xf32, #tpu.memory_space<vmem>>) attributes {dimension_semantics = [#tpu.dimension_semantics<arbitrary>, #tpu.dimension_semantics<arbitrary>], iteration_bounds = array<i64: 8, 8>, scalar_prefetch = 0 : i64, scratch_operands = 0 : i64, tpu.core_type = #tpu.core_type<tc>, window_params = [{transform_indices = @transform_0, window_bounds = array<i64: 1, 64, 2048>}, {transform_indices = @transform_1, window_bounds = array<i64: 1, 64, 256>}, {pipeline_mode = #tpu.pipeline_mode<synchronous>, transform_indices = @transform_2, window_bounds = array<i64: 64, 1>}, {pipeline_mode = #tpu.pipeline_mode<synchronous>, transform_indices = @transform_3, window_bounds = array<i64: 64, 1>}, {transform_indices = @transform_4, window_bounds = array<i64: 1, 256, 8>}, {transform_indices = @transform_5, window_bounds = array<i64: 1, 256, 128>}]} {
    %get3A = arith.constant 0 : index
    %get3A_0 = arith.constant 0 : index
    %get3A_1 = arith.constant 0 : index
    %get3A_2 = vector.load %arg2[%get3A, %get3A_0, %get3A_1] : memref<1x64x2048xf32, #tpu.memory_space<vmem>>, vector<1x64x2048xf32>
    %get3A_3 = vector.shape_cast %get3A_2 : vector<1x64x2048xf32> to vector<64x2048xf32>
    %get3A_4 = arith.constant 0 : index
    %get3A_5 = arith.constant 0 : index
    %get3A_6 = vector.load %arg4[%get3A_4, %get3A_5] : memref<64x1xf32, #tpu.memory_space<vmem>>, vector<64x1xf32>
    %mul3A = vector.broadcast %get3A_6 : vector<64x1xf32> to vector<64x2048xf32>
    %mul3A_7 = arith.mulf %get3A_3, %mul3A : vector<64x2048xf32>
    %get3A_8 = arith.constant 0 : index
    %get3A_9 = arith.constant 0 : index
    %get3A_10 = vector.load %arg5[%get3A_8, %get3A_9] : memref<64x1xf32, #tpu.memory_space<vmem>>, vector<64x1xf32>
    %add3A = vector.broadcast %get3A_10 : vector<64x1xf32> to vector<64x2048xf32>
    %add3A_11 = arith.addf %mul3A_7, %add3A : vector<64x2048xf32>
    %mul3A_12 = arith.constant 2.000000e-01 : f32
    %mul3A_13 = vector.broadcast %mul3A_12 : f32 to vector<64x2048xf32>
    %mul3A_14 = arith.mulf %mul3A_13, %add3A_11 : vector<64x2048xf32>
    %max3A = arith.maximumf %add3A_11, %mul3A_14 : vector<64x2048xf32>
    %get3A_15 = arith.constant 0 : index
    %get3A_16 = arith.constant 0 : index
    %get3A_17 = arith.constant 0 : index
    %get3A_18 = vector.load %arg3[%get3A_15, %get3A_16, %get3A_17] : memref<1x64x256xf32, #tpu.memory_space<vmem>>, vector<1x64x256xf32>
    %get3A_19 = vector.shape_cast %get3A_18 : vector<1x64x256xf32> to vector<64x256xf32>
    %get3A_20 = arith.constant 0 : index
    %get3A_21 = arith.constant 0 : index
    %get3A_22 = vector.load %arg4[%get3A_20, %get3A_21] : memref<64x1xf32, #tpu.memory_space<vmem>>, vector<64x1xf32>
    %mul3A_23 = vector.broadcast %get3A_22 : vector<64x1xf32> to vector<64x256xf32>
    %mul3A_24 = arith.mulf %get3A_19, %mul3A_23 : vector<64x256xf32>
    %get3A_25 = arith.constant 0 : index
    %get3A_26 = arith.constant 0 : index
    %get3A_27 = vector.load %arg5[%get3A_25, %get3A_26] : memref<64x1xf32, #tpu.memory_space<vmem>>, vector<64x1xf32>
    %add3A_28 = vector.broadcast %get3A_27 : vector<64x1xf32> to vector<64x256xf32>
    %add3A_29 = arith.addf %mul3A_24, %add3A_28 : vector<64x256xf32>
    %mul3A_30 = arith.constant 2.000000e-01 : f32
    %mul3A_31 = vector.broadcast %mul3A_30 : f32 to vector<64x256xf32>
    %mul3A_32 = arith.mulf %mul3A_31, %add3A_29 : vector<64x256xf32>
    %max3A_33 = arith.maximumf %add3A_29, %mul3A_32 : vector<64x256xf32>
    %transpose3A = tpu.transpose %max3A_33, [1, 0] : vector<64x256xf32> -> vector<256x64xf32>
    %dot_general3A = arith.constant dense<0.000000e+00> : vector<256x2048xf32>
    %dot_general3A_34 = tpu.matmul %transpose3A, %max3A, %dot_general3A {dimension_numbers = #tpu.dot_dimension_numbers<[1], [0], [0], [1], [0, 0, 1, 1], [], []>, transpose_lhs_hint = false} : vector<256x64xf32>, vector<64x2048xf32>, vector<256x2048xf32> -> vector<256x2048xf32>
    %mul3A_35 = arith.mulf %max3A, %max3A : vector<64x2048xf32>
    %reduce_sum3A = arith.constant dense<0.000000e+00> : vector<2048xf32>
    %reduce_sum3A_36 = vector.multi_reduction <add>, %mul3A_35, %reduce_sum3A [0] : vector<64x2048xf32> to vector<2048xf32>
    %broadcast_in_dim3A = vector.shape_cast %reduce_sum3A_36 : vector<2048xf32> to vector<1x2048xf32>
    %mul3A_37 = arith.mulf %transpose3A, %transpose3A : vector<256x64xf32>
    %reduce_sum3A_38 = arith.constant dense<0.000000e+00> : vector<256xf32>
    %reduce_sum3A_39 = vector.multi_reduction <add>, %mul3A_37, %reduce_sum3A_38 [1] : vector<256x64xf32> to vector<256xf32>
    %broadcast_in_dim3A_40 = vector.shape_cast %reduce_sum3A_39 : vector<256xf32> to vector<256x1xf32>
    %mul3A_41 = arith.constant 2.000000e+00 : f32
    %mul3A_42 = vector.broadcast %mul3A_41 : f32 to vector<256x2048xf32>
    %mul3A_43 = arith.mulf %mul3A_42, %dot_general3A_34 : vector<256x2048xf32>
    %sub3A = vector.broadcast %broadcast_in_dim3A_40 : vector<256x1xf32> to vector<256x2048xf32>
    %sub3A_44 = arith.subf %mul3A_43, %sub3A : vector<256x2048xf32>
    %sub3A_45 = vector.broadcast %broadcast_in_dim3A : vector<1x2048xf32> to vector<256x2048xf32>
    %sub3A_46 = arith.subf %sub3A_44, %sub3A_45 : vector<256x2048xf32>
    %iota3A = tpu.iota {dimensions = array<i32: 1>} : vector<256x2048xi32>
    %iota3A_47 = tpu.iota {dimensions = array<i32: 1>} : vector<256x8xi32>
    %broadcast_in_dim3A_48 = arith.constant 0 : i32
    %broadcast_in_dim3A_49 = vector.broadcast %broadcast_in_dim3A_48 : i32 to vector<256x8xi32>
    %reduce_max3A = arith.constant dense<0xFF800000> : vector<256xf32>
    %reduce_max3A_50 = vector.multi_reduction <maximumf>, %sub3A_46, %reduce_max3A [1] : vector<256x2048xf32> to vector<256xf32>
    %broadcast_in_dim3A_51 = vector.shape_cast %reduce_max3A_50 : vector<256xf32> to vector<256x1xf32>
    %eq3A = vector.broadcast %broadcast_in_dim3A_51 : vector<256x1xf32> to vector<256x2048xf32>
    %eq3A_52 = arith.cmpf oeq, %sub3A_46, %eq3A : vector<256x2048xf32>
    %jit3A = arith.constant 2048 : i32
    %broadcast_in_dim3A_53 = vector.broadcast %jit3A : i32 to vector<256x2048xi32>
    %select_n3A = arith.select %eq3A_52, %iota3A, %broadcast_in_dim3A_53 : vector<256x2048xi1>, vector<256x2048xi32>
    %reduce_min3A = arith.constant dense<2147483647> : vector<256xi32>
    %reduce_min3A_54 = vector.multi_reduction <minsi>, %select_n3A, %reduce_min3A [1] : vector<256x2048xi32> to vector<256xi32>
    %broadcast_in_dim3A_55 = vector.shape_cast %reduce_min3A_54 : vector<256xi32> to vector<256x1xi32>
    %eq3A_56 = arith.constant 0 : i32
    %eq3A_57 = vector.broadcast %eq3A_56 : i32 to vector<256x8xi32>
    %eq3A_58 = arith.cmpi eq, %iota3A_47, %eq3A_57 : vector<256x8xi32>
    %broadcast_in_dim3A_59 = vector.shape_cast %broadcast_in_dim3A_55 : vector<256x1xi32> to vector<256x1xi32>
    %broadcast_in_dim3A_60 = vector.broadcast %broadcast_in_dim3A_59 : vector<256x1xi32> to vector<256x8xi32>
    %select_n3A_61 = arith.select %eq3A_58, %broadcast_in_dim3A_60, %broadcast_in_dim3A_49 : vector<256x8xi1>, vector<256x8xi32>
    %eq3A_62 = vector.broadcast %broadcast_in_dim3A_55 : vector<256x1xi32> to vector<256x2048xi32>
    %eq3A_63 = arith.cmpi eq, %iota3A, %eq3A_62 : vector<256x2048xi32>
    %jit3A_64 = arith.constant 0xFF800000 : f32
    %broadcast_in_dim3A_65 = vector.broadcast %jit3A_64 : f32 to vector<256x2048xf32>
    %select_n3A_66 = arith.select %eq3A_63, %broadcast_in_dim3A_65, %sub3A_46 : vector<256x2048xi1>, vector<256x2048xf32>
    %reduce_max3A_67 = arith.constant dense<0xFF800000> : vector<256xf32>
    %reduce_max3A_68 = vector.multi_reduction <maximumf>, %select_n3A_66, %reduce_max3A_67 [1] : vector<256x2048xf32> to vector<256xf32>
    %broadcast_in_dim3A_69 = vector.shape_cast %reduce_max3A_68 : vector<256xf32> to vector<256x1xf32>
    %eq3A_70 = vector.broadcast %broadcast_in_dim3A_69 : vector<256x1xf32> to vector<256x2048xf32>
    %eq3A_71 = arith.cmpf oeq, %select_n3A_66, %eq3A_70 : vector<256x2048xf32>
    %jit3A_72 = arith.constant 2048 : i32
    %broadcast_in_dim3A_73 = vector.broadcast %jit3A_72 : i32 to vector<256x2048xi32>
    %select_n3A_74 = arith.select %eq3A_71, %iota3A, %broadcast_in_dim3A_73 : vector<256x2048xi1>, vector<256x2048xi32>
    %reduce_min3A_75 = arith.constant dense<2147483647> : vector<256xi32>
    %reduce_min3A_76 = vector.multi_reduction <minsi>, %select_n3A_74, %reduce_min3A_75 [1] : vector<256x2048xi32> to vector<256xi32>
    %broadcast_in_dim3A_77 = vector.shape_cast %reduce_min3A_76 : vector<256xi32> to vector<256x1xi32>
    %eq3A_78 = arith.constant 1 : i32
    %eq3A_79 = vector.broadcast %eq3A_78 : i32 to vector<256x8xi32>
    %eq3A_80 = arith.cmpi eq, %iota3A_47, %eq3A_79 : vector<256x8xi32>
    %broadcast_in_dim3A_81 = vector.shape_cast %broadcast_in_dim3A_77 : vector<256x1xi32> to vector<256x1xi32>
    %broadcast_in_dim3A_82 = vector.broadcast %broadcast_in_dim3A_81 : vector<256x1xi32> to vector<256x8xi32>
    %select_n3A_83 = arith.select %eq3A_80, %broadcast_in_dim3A_82, %select_n3A_61 : vector<256x8xi1>, vector<256x8xi32>
    %eq3A_84 = vector.broadcast %broadcast_in_dim3A_77 : vector<256x1xi32> to vector<256x2048xi32>
    %eq3A_85 = arith.cmpi eq, %iota3A, %eq3A_84 : vector<256x2048xi32>
    %jit3A_86 = arith.constant 0xFF800000 : f32
    %broadcast_in_dim3A_87 = vector.broadcast %jit3A_86 : f32 to vector<256x2048xf32>
    %select_n3A_88 = arith.select %eq3A_85, %broadcast_in_dim3A_87, %select_n3A_66 : vector<256x2048xi1>, vector<256x2048xf32>
    %reduce_max3A_89 = arith.constant dense<0xFF800000> : vector<256xf32>
    %reduce_max3A_90 = vector.multi_reduction <maximumf>, %select_n3A_88, %reduce_max3A_89 [1] : vector<256x2048xf32> to vector<256xf32>
    %broadcast_in_dim3A_91 = vector.shape_cast %reduce_max3A_90 : vector<256xf32> to vector<256x1xf32>
    %eq3A_92 = vector.broadcast %broadcast_in_dim3A_91 : vector<256x1xf32> to vector<256x2048xf32>
    %eq3A_93 = arith.cmpf oeq, %select_n3A_88, %eq3A_92 : vector<256x2048xf32>
    %jit3A_94 = arith.constant 2048 : i32
    %broadcast_in_dim3A_95 = vector.broadcast %jit3A_94 : i32 to vector<256x2048xi32>
    %select_n3A_96 = arith.select %eq3A_93, %iota3A, %broadcast_in_dim3A_95 : vector<256x2048xi1>, vector<256x2048xi32>
    %reduce_min3A_97 = arith.constant dense<2147483647> : vector<256xi32>
    %reduce_min3A_98 = vector.multi_reduction <minsi>, %select_n3A_96, %reduce_min3A_97 [1] : vector<256x2048xi32> to vector<256xi32>
    %broadcast_in_dim3A_99 = vector.shape_cast %reduce_min3A_98 : vector<256xi32> to vector<256x1xi32>
    %eq3A_100 = arith.constant 2 : i32
    %eq3A_101 = vector.broadcast %eq3A_100 : i32 to vector<256x8xi32>
    %eq3A_102 = arith.cmpi eq, %iota3A_47, %eq3A_101 : vector<256x8xi32>
    %broadcast_in_dim3A_103 = vector.shape_cast %broadcast_in_dim3A_99 : vector<256x1xi32> to vector<256x1xi32>
    %broadcast_in_dim3A_104 = vector.broadcast %broadcast_in_dim3A_103 : vector<256x1xi32> to vector<256x8xi32>
    %select_n3A_105 = arith.select %eq3A_102, %broadcast_in_dim3A_104, %select_n3A_83 : vector<256x8xi1>, vector<256x8xi32>
    %eq3A_106 = vector.broadcast %broadcast_in_dim3A_99 : vector<256x1xi32> to vector<256x2048xi32>
    %eq3A_107 = arith.cmpi eq, %iota3A, %eq3A_106 : vector<256x2048xi32>
    %jit3A_108 = arith.constant 0xFF800000 : f32
    %broadcast_in_dim3A_109 = vector.broadcast %jit3A_108 : f32 to vector<256x2048xf32>
    %select_n3A_110 = arith.select %eq3A_107, %broadcast_in_dim3A_109, %select_n3A_88 : vector<256x2048xi1>, vector<256x2048xf32>
    %reduce_max3A_111 = arith.constant dense<0xFF800000> : vector<256xf32>
    %reduce_max3A_112 = vector.multi_reduction <maximumf>, %select_n3A_110, %reduce_max3A_111 [1] : vector<256x2048xf32> to vector<256xf32>
    %broadcast_in_dim3A_113 = vector.shape_cast %reduce_max3A_112 : vector<256xf32> to vector<256x1xf32>
    %eq3A_114 = vector.broadcast %broadcast_in_dim3A_113 : vector<256x1xf32> to vector<256x2048xf32>
    %eq3A_115 = arith.cmpf oeq, %select_n3A_110, %eq3A_114 : vector<256x2048xf32>
    %jit3A_116 = arith.constant 2048 : i32
    %broadcast_in_dim3A_117 = vector.broadcast %jit3A_116 : i32 to vector<256x2048xi32>
    %select_n3A_118 = arith.select %eq3A_115, %iota3A, %broadcast_in_dim3A_117 : vector<256x2048xi1>, vector<256x2048xi32>
    %reduce_min3A_119 = arith.constant dense<2147483647> : vector<256xi32>
    %reduce_min3A_120 = vector.multi_reduction <minsi>, %select_n3A_118, %reduce_min3A_119 [1] : vector<256x2048xi32> to vector<256xi32>
    %broadcast_in_dim3A_121 = vector.shape_cast %reduce_min3A_120 : vector<256xi32> to vector<256x1xi32>
    %eq3A_122 = arith.constant 3 : i32
    %eq3A_123 = vector.broadcast %eq3A_122 : i32 to vector<256x8xi32>
    %eq3A_124 = arith.cmpi eq, %iota3A_47, %eq3A_123 : vector<256x8xi32>
    %broadcast_in_dim3A_125 = vector.shape_cast %broadcast_in_dim3A_121 : vector<256x1xi32> to vector<256x1xi32>
    %broadcast_in_dim3A_126 = vector.broadcast %broadcast_in_dim3A_125 : vector<256x1xi32> to vector<256x8xi32>
    %select_n3A_127 = arith.select %eq3A_124, %broadcast_in_dim3A_126, %select_n3A_105 : vector<256x8xi1>, vector<256x8xi32>
    %eq3A_128 = vector.broadcast %broadcast_in_dim3A_121 : vector<256x1xi32> to vector<256x2048xi32>
    %eq3A_129 = arith.cmpi eq, %iota3A, %eq3A_128 : vector<256x2048xi32>
    %jit3A_130 = arith.constant 0xFF800000 : f32
    %broadcast_in_dim3A_131 = vector.broadcast %jit3A_130 : f32 to vector<256x2048xf32>
    %select_n3A_132 = arith.select %eq3A_129, %broadcast_in_dim3A_131, %select_n3A_110 : vector<256x2048xi1>, vector<256x2048xf32>
    %reduce_max3A_133 = arith.constant dense<0xFF800000> : vector<256xf32>
    %reduce_max3A_134 = vector.multi_reduction <maximumf>, %select_n3A_132, %reduce_max3A_133 [1] : vector<256x2048xf32> to vector<256xf32>
    %broadcast_in_dim3A_135 = vector.shape_cast %reduce_max3A_134 : vector<256xf32> to vector<256x1xf32>
    %eq3A_136 = vector.broadcast %broadcast_in_dim3A_135 : vector<256x1xf32> to vector<256x2048xf32>
    %eq3A_137 = arith.cmpf oeq, %select_n3A_132, %eq3A_136 : vector<256x2048xf32>
    %jit3A_138 = arith.constant 2048 : i32
    %broadcast_in_dim3A_139 = vector.broadcast %jit3A_138 : i32 to vector<256x2048xi32>
    %select_n3A_140 = arith.select %eq3A_137, %iota3A, %broadcast_in_dim3A_139 : vector<256x2048xi1>, vector<256x2048xi32>
    %reduce_min3A_141 = arith.constant dense<2147483647> : vector<256xi32>
    %reduce_min3A_142 = vector.multi_reduction <minsi>, %select_n3A_140, %reduce_min3A_141 [1] : vector<256x2048xi32> to vector<256xi32>
    %broadcast_in_dim3A_143 = vector.shape_cast %reduce_min3A_142 : vector<256xi32> to vector<256x1xi32>
    %eq3A_144 = arith.constant 4 : i32
    %eq3A_145 = vector.broadcast %eq3A_144 : i32 to vector<256x8xi32>
    %eq3A_146 = arith.cmpi eq, %iota3A_47, %eq3A_145 : vector<256x8xi32>
    %broadcast_in_dim3A_147 = vector.shape_cast %broadcast_in_dim3A_143 : vector<256x1xi32> to vector<256x1xi32>
    %broadcast_in_dim3A_148 = vector.broadcast %broadcast_in_dim3A_147 : vector<256x1xi32> to vector<256x8xi32>
    %select_n3A_149 = arith.select %eq3A_146, %broadcast_in_dim3A_148, %select_n3A_127 : vector<256x8xi1>, vector<256x8xi32>
    %eq3A_150 = vector.broadcast %broadcast_in_dim3A_143 : vector<256x1xi32> to vector<256x2048xi32>
    %eq3A_151 = arith.cmpi eq, %iota3A, %eq3A_150 : vector<256x2048xi32>
    %jit3A_152 = arith.constant 0xFF800000 : f32
    %broadcast_in_dim3A_153 = vector.broadcast %jit3A_152 : f32 to vector<256x2048xf32>
    %select_n3A_154 = arith.select %eq3A_151, %broadcast_in_dim3A_153, %select_n3A_132 : vector<256x2048xi1>, vector<256x2048xf32>
    %reduce_max3A_155 = arith.constant dense<0xFF800000> : vector<256xf32>
    %reduce_max3A_156 = vector.multi_reduction <maximumf>, %select_n3A_154, %reduce_max3A_155 [1] : vector<256x2048xf32> to vector<256xf32>
    %broadcast_in_dim3A_157 = vector.shape_cast %reduce_max3A_156 : vector<256xf32> to vector<256x1xf32>
    %eq3A_158 = vector.broadcast %broadcast_in_dim3A_157 : vector<256x1xf32> to vector<256x2048xf32>
    %eq3A_159 = arith.cmpf oeq, %select_n3A_154, %eq3A_158 : vector<256x2048xf32>
    %jit3A_160 = arith.constant 2048 : i32
    %broadcast_in_dim3A_161 = vector.broadcast %jit3A_160 : i32 to vector<256x2048xi32>
    %select_n3A_162 = arith.select %eq3A_159, %iota3A, %broadcast_in_dim3A_161 : vector<256x2048xi1>, vector<256x2048xi32>
    %reduce_min3A_163 = arith.constant dense<2147483647> : vector<256xi32>
    %reduce_min3A_164 = vector.multi_reduction <minsi>, %select_n3A_162, %reduce_min3A_163 [1] : vector<256x2048xi32> to vector<256xi32>
    %broadcast_in_dim3A_165 = vector.shape_cast %reduce_min3A_164 : vector<256xi32> to vector<256x1xi32>
    %eq3A_166 = arith.constant 5 : i32
    %eq3A_167 = vector.broadcast %eq3A_166 : i32 to vector<256x8xi32>
    %eq3A_168 = arith.cmpi eq, %iota3A_47, %eq3A_167 : vector<256x8xi32>
    %broadcast_in_dim3A_169 = vector.shape_cast %broadcast_in_dim3A_165 : vector<256x1xi32> to vector<256x1xi32>
    %broadcast_in_dim3A_170 = vector.broadcast %broadcast_in_dim3A_169 : vector<256x1xi32> to vector<256x8xi32>
    %select_n3A_171 = arith.select %eq3A_168, %broadcast_in_dim3A_170, %select_n3A_149 : vector<256x8xi1>, vector<256x8xi32>
    %eq3A_172 = vector.broadcast %broadcast_in_dim3A_165 : vector<256x1xi32> to vector<256x2048xi32>
    %eq3A_173 = arith.cmpi eq, %iota3A, %eq3A_172 : vector<256x2048xi32>
    %jit3A_174 = arith.constant 0xFF800000 : f32
    %broadcast_in_dim3A_175 = vector.broadcast %jit3A_174 : f32 to vector<256x2048xf32>
    %select_n3A_176 = arith.select %eq3A_173, %broadcast_in_dim3A_175, %select_n3A_154 : vector<256x2048xi1>, vector<256x2048xf32>
    %reduce_max3A_177 = arith.constant dense<0xFF800000> : vector<256xf32>
    %reduce_max3A_178 = vector.multi_reduction <maximumf>, %select_n3A_176, %reduce_max3A_177 [1] : vector<256x2048xf32> to vector<256xf32>
    %broadcast_in_dim3A_179 = vector.shape_cast %reduce_max3A_178 : vector<256xf32> to vector<256x1xf32>
    %eq3A_180 = vector.broadcast %broadcast_in_dim3A_179 : vector<256x1xf32> to vector<256x2048xf32>
    %eq3A_181 = arith.cmpf oeq, %select_n3A_176, %eq3A_180 : vector<256x2048xf32>
    %jit3A_182 = arith.constant 2048 : i32
    %broadcast_in_dim3A_183 = vector.broadcast %jit3A_182 : i32 to vector<256x2048xi32>
    %select_n3A_184 = arith.select %eq3A_181, %iota3A, %broadcast_in_dim3A_183 : vector<256x2048xi1>, vector<256x2048xi32>
    %reduce_min3A_185 = arith.constant dense<2147483647> : vector<256xi32>
    %reduce_min3A_186 = vector.multi_reduction <minsi>, %select_n3A_184, %reduce_min3A_185 [1] : vector<256x2048xi32> to vector<256xi32>
    %broadcast_in_dim3A_187 = vector.shape_cast %reduce_min3A_186 : vector<256xi32> to vector<256x1xi32>
    %eq3A_188 = arith.constant 6 : i32
    %eq3A_189 = vector.broadcast %eq3A_188 : i32 to vector<256x8xi32>
    %eq3A_190 = arith.cmpi eq, %iota3A_47, %eq3A_189 : vector<256x8xi32>
    %broadcast_in_dim3A_191 = vector.shape_cast %broadcast_in_dim3A_187 : vector<256x1xi32> to vector<256x1xi32>
    %broadcast_in_dim3A_192 = vector.broadcast %broadcast_in_dim3A_191 : vector<256x1xi32> to vector<256x8xi32>
    %select_n3A_193 = arith.select %eq3A_190, %broadcast_in_dim3A_192, %select_n3A_171 : vector<256x8xi1>, vector<256x8xi32>
    %eq3A_194 = vector.broadcast %broadcast_in_dim3A_187 : vector<256x1xi32> to vector<256x2048xi32>
    %eq3A_195 = arith.cmpi eq, %iota3A, %eq3A_194 : vector<256x2048xi32>
    %jit3A_196 = arith.constant 0xFF800000 : f32
    %broadcast_in_dim3A_197 = vector.broadcast %jit3A_196 : f32 to vector<256x2048xf32>
    %select_n3A_198 = arith.select %eq3A_195, %broadcast_in_dim3A_197, %select_n3A_176 : vector<256x2048xi1>, vector<256x2048xf32>
    %reduce_max3A_199 = arith.constant dense<0xFF800000> : vector<256xf32>
    %reduce_max3A_200 = vector.multi_reduction <maximumf>, %select_n3A_198, %reduce_max3A_199 [1] : vector<256x2048xf32> to vector<256xf32>
    %broadcast_in_dim3A_201 = vector.shape_cast %reduce_max3A_200 : vector<256xf32> to vector<256x1xf32>
    %eq3A_202 = vector.broadcast %broadcast_in_dim3A_201 : vector<256x1xf32> to vector<256x2048xf32>
    %eq3A_203 = arith.cmpf oeq, %select_n3A_198, %eq3A_202 : vector<256x2048xf32>
    %jit3A_204 = arith.constant 2048 : i32
    %broadcast_in_dim3A_205 = vector.broadcast %jit3A_204 : i32 to vector<256x2048xi32>
    %select_n3A_206 = arith.select %eq3A_203, %iota3A, %broadcast_in_dim3A_205 : vector<256x2048xi1>, vector<256x2048xi32>
    %reduce_min3A_207 = arith.constant dense<2147483647> : vector<256xi32>
    %reduce_min3A_208 = vector.multi_reduction <minsi>, %select_n3A_206, %reduce_min3A_207 [1] : vector<256x2048xi32> to vector<256xi32>
    %broadcast_in_dim3A_209 = vector.shape_cast %reduce_min3A_208 : vector<256xi32> to vector<256x1xi32>
    %eq3A_210 = arith.constant 7 : i32
    %eq3A_211 = vector.broadcast %eq3A_210 : i32 to vector<256x8xi32>
    %eq3A_212 = arith.cmpi eq, %iota3A_47, %eq3A_211 : vector<256x8xi32>
    %broadcast_in_dim3A_213 = vector.shape_cast %broadcast_in_dim3A_209 : vector<256x1xi32> to vector<256x1xi32>
    %broadcast_in_dim3A_214 = vector.broadcast %broadcast_in_dim3A_213 : vector<256x1xi32> to vector<256x8xi32>
    %select_n3A_215 = arith.select %eq3A_212, %broadcast_in_dim3A_214, %select_n3A_193 : vector<256x8xi1>, vector<256x8xi32>
    %mul3A_216 = arith.constant 2048 : i32
    %mul3A_217 = arith.muli %arg0, %mul3A_216 : i32
    %add3A_218 = vector.broadcast %mul3A_217 : i32 to vector<256x8xi32>
    %add3A_219 = arith.addi %select_n3A_215, %add3A_218 : vector<256x8xi32>
    %swap3A = arith.constant 0 : index
    %swap3A_220 = arith.constant 0 : index
    %swap3A_221 = arith.constant 0 : index
    %swap3A_222 = vector.load %arg6[%swap3A, %swap3A_220, %swap3A_221] : memref<1x256x8xi32, #tpu.memory_space<vmem>>, vector<1x256x8xi32>
    %swap3A_223 = vector.shape_cast %swap3A_222 : vector<1x256x8xi32> to vector<256x8xi32>
    %swap3A_224 = vector.shape_cast %add3A_219 : vector<256x8xi32> to vector<1x256x8xi32>
    tpu.vector_store %arg6[%swap3A, %swap3A_220, %swap3A_221], %swap3A_224 {strides = array<i32>} : memref<1x256x8xi32, #tpu.memory_space<vmem>>, vector<1x256x8xi32>,
    %broadcast_in_dim3A_225 = arith.constant 0.000000e+00 : f32
    %broadcast_in_dim3A_226 = vector.broadcast %broadcast_in_dim3A_225 : f32 to vector<256x64xf32>
    %concatenate3A = tpu.concatenate %transpose3A, %broadcast_in_dim3A_226 in 1 : vector<256x64xf32>, vector<256x64xf32> -> vector<256x128xf32>
    %swap3A_227 = arith.constant 0 : index
    %swap3A_228 = arith.constant 0 : index
    %swap3A_229 = arith.constant 0 : index
    %swap3A_230 = vector.load %arg7[%swap3A_227, %swap3A_228, %swap3A_229] : memref<1x256x128xf32, #tpu.memory_space<vmem>>, vector<1x256x128xf32>
    %swap3A_231 = vector.shape_cast %swap3A_230 : vector<1x256x128xf32> to vector<256x128xf32>
    %swap3A_232 = vector.shape_cast %concatenate3A : vector<256x128xf32> to vector<1x256x128xf32>
    tpu.vector_store %arg7[%swap3A_227, %swap3A_228, %swap3A_229], %swap3A_232 {strides = array<i32>} : memref<1x256x128xf32, #tpu.memory_space<vmem>>, vector<1x256x128xf32>,
    return
  }
  func.func @transform_0(%arg0: i32, %arg1: i32) -> (i32, i32, i32) {
    %c0_i32 = arith.constant 0 : i32
    %c0_i32_0 = arith.constant 0 : i32
    %c0_i32_1 = arith.constant 0 : i32
    return %arg0, %c0_i32, %c0_i32_0 : i32, i32, i32
  }
  func.func @transform_1(%arg0: i32, %arg1: i32) -> (i32, i32, i32) {
    %c0_i32 = arith.constant 0 : i32
    %c0_i32_0 = arith.constant 0 : i32
    return %arg0, %c0_i32, %arg1 : i32, i32, i32
  }
  func.func @transform_2(%arg0: i32, %arg1: i32) -> (i32, i32) {
    %c0_i32 = arith.constant 0 : i32
    %c0_i32_0 = arith.constant 0 : i32
    %c0_i32_1 = arith.constant 0 : i32
    return %c0_i32, %c0_i32_0 : i32, i32
  }
  func.func @transform_3(%arg0: i32, %arg1: i32) -> (i32, i32) {
    %c0_i32 = arith.constant 0 : i32
    %c0_i32_0 = arith.constant 0 : i32
    %c0_i32_1 = arith.constant 0 : i32
    return %c0_i32, %c0_i32_0 : i32, i32
  }
  func.func @transform_4(%arg0: i32, %arg1: i32) -> (i32, i32, i32) {
    %c0_i32 = arith.constant 0 : i32
    %c0_i32_0 = arith.constant 0 : i32
    return %arg0, %arg1, %c0_i32 : i32, i32, i32
  }
  func.func @transform_5(%arg0: i32, %arg1: i32) -> (i32, i32, i32) {
    %c0_i32 = arith.constant 0 : i32
    %c0_i32_0 = arith.constant 0 : i32
    return %arg0, %arg1, %c0_i32 : i32, i32, i32
  }
}

module attributes {stable_mosaic.version = 14 : i64} {
  func.func @_edge_body(%arg0: i32, %arg1: i32, %arg2: memref<8x1x256x128xf32, #tpu.memory_space<vmem>>, %arg3: memref<1x256x128xf32, #tpu.memory_space<vmem>>, %arg4: memref<128x128xf32, #tpu.memory_space<vmem>>, %arg5: memref<1x256x128xf32, #tpu.memory_space<vmem>>, %arg6: memref<1x128xf32, #tpu.memory_space<vmem>>, %arg7: memref<1x128xf32, #tpu.memory_space<vmem>>) attributes {dimension_semantics = [#tpu.dimension_semantics<arbitrary>, #tpu.dimension_semantics<arbitrary>], iteration_bounds = array<i64: 8, 8>, scalar_prefetch = 0 : i64, scratch_operands = 0 : i64, tpu.core_type = #tpu.core_type<tc>, window_params = [{transform_indices = @transform_0, window_bounds = array<i64: 8, 1, 256, 128>}, {transform_indices = @transform_1, window_bounds = array<i64: 1, 256, 128>}, {pipeline_mode = #tpu.pipeline_mode<synchronous>, transform_indices = @transform_2, window_bounds = array<i64: 128, 128>}, {transform_indices = @transform_3, window_bounds = array<i64: 1, 256, 128>}, {pipeline_mode = #tpu.pipeline_mode<synchronous>, transform_indices = @transform_4, window_bounds = array<i64: 1, 128>}, {pipeline_mode = #tpu.pipeline_mode<synchronous>, transform_indices = @transform_5, window_bounds = array<i64: 1, 128>}]} {
    %get3A = arith.constant 0 : index
    %get3A_0 = arith.constant 0 : index
    %get3A_1 = arith.constant 0 : index
    %get3A_2 = vector.load %arg3[%get3A, %get3A_0, %get3A_1] : memref<1x256x128xf32, #tpu.memory_space<vmem>>, vector<1x256x128xf32>
    %get3A_3 = vector.shape_cast %get3A_2 : vector<1x256x128xf32> to vector<256x128xf32>
    %slice3A = vector.extract_strided_slice %get3A_3 {offsets = [0, 0], sizes = [256, 64], strides = [1, 1]} : vector<256x128xf32> to vector<256x64xf32>
    %get3A_4 = arith.constant 0 : index
    %get3A_5 = arith.constant 0 : index
    %get3A_6 = arith.constant 0 : index
    %get3A_7 = arith.constant 0 : index
    %get3A_8 = vector.load %arg2[%get3A_4, %get3A_5, %get3A_6, %get3A_7] : memref<8x1x256x128xf32, #tpu.memory_space<vmem>>, vector<1x1x256x128xf32>
    %get3A_9 = vector.shape_cast %get3A_8 : vector<1x1x256x128xf32> to vector<256x128xf32>
    %slice3A_10 = vector.extract_strided_slice %get3A_9 {offsets = [0, 0], sizes = [256, 64], strides = [1, 1]} : vector<256x128xf32> to vector<256x64xf32>
    %sub3A = arith.subf %slice3A_10, %slice3A : vector<256x64xf32>
    %concatenate3A = tpu.concatenate %sub3A, %slice3A in 1 : vector<256x64xf32>, vector<256x64xf32> -> vector<256x128xf32>
    %get3A_11 = arith.constant 0 : index
    %get3A_12 = arith.constant 0 : index
    %get3A_13 = vector.load %arg4[%get3A_11, %get3A_12] : memref<128x128xf32, #tpu.memory_space<vmem>>, vector<128x128xf32>
    %dot_general3A = arith.constant dense<0.000000e+00> : vector<256x128xf32>
    %dot_general3A_14 = tpu.matmul %concatenate3A, %get3A_13, %dot_general3A {dimension_numbers = #tpu.dot_dimension_numbers<[1], [0], [0], [1], [0, 0, 1, 1], [], []>, transpose_lhs_hint = false} : vector<256x128xf32>, vector<128x128xf32>, vector<256x128xf32> -> vector<256x128xf32>
    %mul3A = arith.mulf %dot_general3A_14, %dot_general3A_14 : vector<256x128xf32>
    %get3A_15 = arith.constant 1 : index
    %get3A_16 = arith.constant 0 : index
    %get3A_17 = arith.constant 0 : index
    %get3A_18 = arith.constant 0 : index
    %get3A_19 = vector.load %arg2[%get3A_15, %get3A_16, %get3A_17, %get3A_18] : memref<8x1x256x128xf32, #tpu.memory_space<vmem>>, vector<1x1x256x128xf32>
    %get3A_20 = vector.shape_cast %get3A_19 : vector<1x1x256x128xf32> to vector<256x128xf32>
    %slice3A_21 = vector.extract_strided_slice %get3A_20 {offsets = [0, 0], sizes = [256, 64], strides = [1, 1]} : vector<256x128xf32> to vector<256x64xf32>
    %sub3A_22 = arith.subf %slice3A_21, %slice3A : vector<256x64xf32>
    %concatenate3A_23 = tpu.concatenate %sub3A_22, %slice3A in 1 : vector<256x64xf32>, vector<256x64xf32> -> vector<256x128xf32>
    %get3A_24 = arith.constant 0 : index
    %get3A_25 = arith.constant 0 : index
    %get3A_26 = vector.load %arg4[%get3A_24, %get3A_25] : memref<128x128xf32, #tpu.memory_space<vmem>>, vector<128x128xf32>
    %dot_general3A_27 = arith.constant dense<0.000000e+00> : vector<256x128xf32>
    %dot_general3A_28 = tpu.matmul %concatenate3A_23, %get3A_26, %dot_general3A_27 {dimension_numbers = #tpu.dot_dimension_numbers<[1], [0], [0], [1], [0, 0, 1, 1], [], []>, transpose_lhs_hint = false} : vector<256x128xf32>, vector<128x128xf32>, vector<256x128xf32> -> vector<256x128xf32>
    %max3A = arith.maximumf %dot_general3A_14, %dot_general3A_28 : vector<256x128xf32>
    %add3A = arith.addf %dot_general3A_14, %dot_general3A_28 : vector<256x128xf32>
    %mul3A_29 = arith.mulf %dot_general3A_28, %dot_general3A_28 : vector<256x128xf32>
    %add3A_30 = arith.addf %mul3A, %mul3A_29 : vector<256x128xf32>
    %get3A_31 = arith.constant 2 : index
    %get3A_32 = arith.constant 0 : index
    %get3A_33 = arith.constant 0 : index
    %get3A_34 = arith.constant 0 : index
    %get3A_35 = vector.load %arg2[%get3A_31, %get3A_32, %get3A_33, %get3A_34] : memref<8x1x256x128xf32, #tpu.memory_space<vmem>>, vector<1x1x256x128xf32>
    %get3A_36 = vector.shape_cast %get3A_35 : vector<1x1x256x128xf32> to vector<256x128xf32>
    %slice3A_37 = vector.extract_strided_slice %get3A_36 {offsets = [0, 0], sizes = [256, 64], strides = [1, 1]} : vector<256x128xf32> to vector<256x64xf32>
    %sub3A_38 = arith.subf %slice3A_37, %slice3A : vector<256x64xf32>
    %concatenate3A_39 = tpu.concatenate %sub3A_38, %slice3A in 1 : vector<256x64xf32>, vector<256x64xf32> -> vector<256x128xf32>
    %get3A_40 = arith.constant 0 : index
    %get3A_41 = arith.constant 0 : index
    %get3A_42 = vector.load %arg4[%get3A_40, %get3A_41] : memref<128x128xf32, #tpu.memory_space<vmem>>, vector<128x128xf32>
    %dot_general3A_43 = arith.constant dense<0.000000e+00> : vector<256x128xf32>
    %dot_general3A_44 = tpu.matmul %concatenate3A_39, %get3A_42, %dot_general3A_43 {dimension_numbers = #tpu.dot_dimension_numbers<[1], [0], [0], [1], [0, 0, 1, 1], [], []>, transpose_lhs_hint = false} : vector<256x128xf32>, vector<128x128xf32>, vector<256x128xf32> -> vector<256x128xf32>
    %max3A_45 = arith.maximumf %max3A, %dot_general3A_44 : vector<256x128xf32>
    %add3A_46 = arith.addf %add3A, %dot_general3A_44 : vector<256x128xf32>
    %mul3A_47 = arith.mulf %dot_general3A_44, %dot_general3A_44 : vector<256x128xf32>
    %add3A_48 = arith.addf %add3A_30, %mul3A_47 : vector<256x128xf32>
    %get3A_49 = arith.constant 3 : index
    %get3A_50 = arith.constant 0 : index
    %get3A_51 = arith.constant 0 : index
    %get3A_52 = arith.constant 0 : index
    %get3A_53 = vector.load %arg2[%get3A_49, %get3A_50, %get3A_51, %get3A_52] : memref<8x1x256x128xf32, #tpu.memory_space<vmem>>, vector<1x1x256x128xf32>
    %get3A_54 = vector.shape_cast %get3A_53 : vector<1x1x256x128xf32> to vector<256x128xf32>
    %slice3A_55 = vector.extract_strided_slice %get3A_54 {offsets = [0, 0], sizes = [256, 64], strides = [1, 1]} : vector<256x128xf32> to vector<256x64xf32>
    %sub3A_56 = arith.subf %slice3A_55, %slice3A : vector<256x64xf32>
    %concatenate3A_57 = tpu.concatenate %sub3A_56, %slice3A in 1 : vector<256x64xf32>, vector<256x64xf32> -> vector<256x128xf32>
    %get3A_58 = arith.constant 0 : index
    %get3A_59 = arith.constant 0 : index
    %get3A_60 = vector.load %arg4[%get3A_58, %get3A_59] : memref<128x128xf32, #tpu.memory_space<vmem>>, vector<128x128xf32>
    %dot_general3A_61 = arith.constant dense<0.000000e+00> : vector<256x128xf32>
    %dot_general3A_62 = tpu.matmul %concatenate3A_57, %get3A_60, %dot_general3A_61 {dimension_numbers = #tpu.dot_dimension_numbers<[1], [0], [0], [1], [0, 0, 1, 1], [], []>, transpose_lhs_hint = false} : vector<256x128xf32>, vector<128x128xf32>, vector<256x128xf32> -> vector<256x128xf32>
    %max3A_63 = arith.maximumf %max3A_45, %dot_general3A_62 : vector<256x128xf32>
    %add3A_64 = arith.addf %add3A_46, %dot_general3A_62 : vector<256x128xf32>
    %mul3A_65 = arith.mulf %dot_general3A_62, %dot_general3A_62 : vector<256x128xf32>
    %add3A_66 = arith.addf %add3A_48, %mul3A_65 : vector<256x128xf32>
    %get3A_67 = arith.constant 4 : index
    %get3A_68 = arith.constant 0 : index
    %get3A_69 = arith.constant 0 : index
    %get3A_70 = arith.constant 0 : index
    %get3A_71 = vector.load %arg2[%get3A_67, %get3A_68, %get3A_69, %get3A_70] : memref<8x1x256x128xf32, #tpu.memory_space<vmem>>, vector<1x1x256x128xf32>
    %get3A_72 = vector.shape_cast %get3A_71 : vector<1x1x256x128xf32> to vector<256x128xf32>
    %slice3A_73 = vector.extract_strided_slice %get3A_72 {offsets = [0, 0], sizes = [256, 64], strides = [1, 1]} : vector<256x128xf32> to vector<256x64xf32>
    %sub3A_74 = arith.subf %slice3A_73, %slice3A : vector<256x64xf32>
    %concatenate3A_75 = tpu.concatenate %sub3A_74, %slice3A in 1 : vector<256x64xf32>, vector<256x64xf32> -> vector<256x128xf32>
    %get3A_76 = arith.constant 0 : index
    %get3A_77 = arith.constant 0 : index
    %get3A_78 = vector.load %arg4[%get3A_76, %get3A_77] : memref<128x128xf32, #tpu.memory_space<vmem>>, vector<128x128xf32>
    %dot_general3A_79 = arith.constant dense<0.000000e+00> : vector<256x128xf32>
    %dot_general3A_80 = tpu.matmul %concatenate3A_75, %get3A_78, %dot_general3A_79 {dimension_numbers = #tpu.dot_dimension_numbers<[1], [0], [0], [1], [0, 0, 1, 1], [], []>, transpose_lhs_hint = false} : vector<256x128xf32>, vector<128x128xf32>, vector<256x128xf32> -> vector<256x128xf32>
    %max3A_81 = arith.maximumf %max3A_63, %dot_general3A_80 : vector<256x128xf32>
    %add3A_82 = arith.addf %add3A_64, %dot_general3A_80 : vector<256x128xf32>
    %mul3A_83 = arith.mulf %dot_general3A_80, %dot_general3A_80 : vector<256x128xf32>
    %add3A_84 = arith.addf %add3A_66, %mul3A_83 : vector<256x128xf32>
    %get3A_85 = arith.constant 5 : index
    %get3A_86 = arith.constant 0 : index
    %get3A_87 = arith.constant 0 : index
    %get3A_88 = arith.constant 0 : index
    %get3A_89 = vector.load %arg2[%get3A_85, %get3A_86, %get3A_87, %get3A_88] : memref<8x1x256x128xf32, #tpu.memory_space<vmem>>, vector<1x1x256x128xf32>
    %get3A_90 = vector.shape_cast %get3A_89 : vector<1x1x256x128xf32> to vector<256x128xf32>
    %slice3A_91 = vector.extract_strided_slice %get3A_90 {offsets = [0, 0], sizes = [256, 64], strides = [1, 1]} : vector<256x128xf32> to vector<256x64xf32>
    %sub3A_92 = arith.subf %slice3A_91, %slice3A : vector<256x64xf32>
    %concatenate3A_93 = tpu.concatenate %sub3A_92, %slice3A in 1 : vector<256x64xf32>, vector<256x64xf32> -> vector<256x128xf32>
    %get3A_94 = arith.constant 0 : index
    %get3A_95 = arith.constant 0 : index
    %get3A_96 = vector.load %arg4[%get3A_94, %get3A_95] : memref<128x128xf32, #tpu.memory_space<vmem>>, vector<128x128xf32>
    %dot_general3A_97 = arith.constant dense<0.000000e+00> : vector<256x128xf32>
    %dot_general3A_98 = tpu.matmul %concatenate3A_93, %get3A_96, %dot_general3A_97 {dimension_numbers = #tpu.dot_dimension_numbers<[1], [0], [0], [1], [0, 0, 1, 1], [], []>, transpose_lhs_hint = false} : vector<256x128xf32>, vector<128x128xf32>, vector<256x128xf32> -> vector<256x128xf32>
    %max3A_99 = arith.maximumf %max3A_81, %dot_general3A_98 : vector<256x128xf32>
    %add3A_100 = arith.addf %add3A_82, %dot_general3A_98 : vector<256x128xf32>
    %mul3A_101 = arith.mulf %dot_general3A_98, %dot_general3A_98 : vector<256x128xf32>
    %add3A_102 = arith.addf %add3A_84, %mul3A_101 : vector<256x128xf32>
    %get3A_103 = arith.constant 6 : index
    %get3A_104 = arith.constant 0 : index
    %get3A_105 = arith.constant 0 : index
    %get3A_106 = arith.constant 0 : index
    %get3A_107 = vector.load %arg2[%get3A_103, %get3A_104, %get3A_105, %get3A_106] : memref<8x1x256x128xf32, #tpu.memory_space<vmem>>, vector<1x1x256x128xf32>
    %get3A_108 = vector.shape_cast %get3A_107 : vector<1x1x256x128xf32> to vector<256x128xf32>
    %slice3A_109 = vector.extract_strided_slice %get3A_108 {offsets = [0, 0], sizes = [256, 64], strides = [1, 1]} : vector<256x128xf32> to vector<256x64xf32>
    %sub3A_110 = arith.subf %slice3A_109, %slice3A : vector<256x64xf32>
    %concatenate3A_111 = tpu.concatenate %sub3A_110, %slice3A in 1 : vector<256x64xf32>, vector<256x64xf32> -> vector<256x128xf32>
    %get3A_112 = arith.constant 0 : index
    %get3A_113 = arith.constant 0 : index
    %get3A_114 = vector.load %arg4[%get3A_112, %get3A_113] : memref<128x128xf32, #tpu.memory_space<vmem>>, vector<128x128xf32>
    %dot_general3A_115 = arith.constant dense<0.000000e+00> : vector<256x128xf32>
    %dot_general3A_116 = tpu.matmul %concatenate3A_111, %get3A_114, %dot_general3A_115 {dimension_numbers = #tpu.dot_dimension_numbers<[1], [0], [0], [1], [0, 0, 1, 1], [], []>, transpose_lhs_hint = false} : vector<256x128xf32>, vector<128x128xf32>, vector<256x128xf32> -> vector<256x128xf32>
    %max3A_117 = arith.maximumf %max3A_99, %dot_general3A_116 : vector<256x128xf32>
    %add3A_118 = arith.addf %add3A_100, %dot_general3A_116 : vector<256x128xf32>
    %mul3A_119 = arith.mulf %dot_general3A_116, %dot_general3A_116 : vector<256x128xf32>
    %add3A_120 = arith.addf %add3A_102, %mul3A_119 : vector<256x128xf32>
    %get3A_121 = arith.constant 7 : index
    %get3A_122 = arith.constant 0 : index
    %get3A_123 = arith.constant 0 : index
    %get3A_124 = arith.constant 0 : index
    %get3A_125 = vector.load %arg2[%get3A_121, %get3A_122, %get3A_123, %get3A_124] : memref<8x1x256x128xf32, #tpu.memory_space<vmem>>, vector<1x1x256x128xf32>
    %get3A_126 = vector.shape_cast %get3A_125 : vector<1x1x256x128xf32> to vector<256x128xf32>
    %slice3A_127 = vector.extract_strided_slice %get3A_126 {offsets = [0, 0], sizes = [256, 64], strides = [1, 1]} : vector<256x128xf32> to vector<256x64xf32>
    %sub3A_128 = arith.subf %slice3A_127, %slice3A : vector<256x64xf32>
    %concatenate3A_129 = tpu.concatenate %sub3A_128, %slice3A in 1 : vector<256x64xf32>, vector<256x64xf32> -> vector<256x128xf32>
    %get3A_130 = arith.constant 0 : index
    %get3A_131 = arith.constant 0 : index
    %get3A_132 = vector.load %arg4[%get3A_130, %get3A_131] : memref<128x128xf32, #tpu.memory_space<vmem>>, vector<128x128xf32>
    %dot_general3A_133 = arith.constant dense<0.000000e+00> : vector<256x128xf32>
    %dot_general3A_134 = tpu.matmul %concatenate3A_129, %get3A_132, %dot_general3A_133 {dimension_numbers = #tpu.dot_dimension_numbers<[1], [0], [0], [1], [0, 0, 1, 1], [], []>, transpose_lhs_hint = false} : vector<256x128xf32>, vector<128x128xf32>, vector<256x128xf32> -> vector<256x128xf32>
    %max3A_135 = arith.maximumf %max3A_117, %dot_general3A_134 : vector<256x128xf32>
    %add3A_136 = arith.addf %add3A_118, %dot_general3A_134 : vector<256x128xf32>
    %mul3A_137 = arith.mulf %dot_general3A_134, %dot_general3A_134 : vector<256x128xf32>
    %add3A_138 = arith.addf %add3A_120, %mul3A_137 : vector<256x128xf32>
    %swap3A = arith.constant 0 : index
    %swap3A_139 = arith.constant 0 : index
    %swap3A_140 = arith.constant 0 : index
    %swap3A_141 = vector.load %arg5[%swap3A, %swap3A_139, %swap3A_140] : memref<1x256x128xf32, #tpu.memory_space<vmem>>, vector<1x256x128xf32>
    %swap3A_142 = vector.shape_cast %swap3A_141 : vector<1x256x128xf32> to vector<256x128xf32>
    %swap3A_143 = vector.shape_cast %max3A_135 : vector<256x128xf32> to vector<1x256x128xf32>
    tpu.vector_store %arg5[%swap3A, %swap3A_139, %swap3A_140], %swap3A_143 {strides = array<i32>} : memref<1x256x128xf32, #tpu.memory_space<vmem>>, vector<1x256x128xf32>,
    %reduce_sum3A = arith.constant dense<0.000000e+00> : vector<128xf32>
    %reduce_sum3A_144 = vector.multi_reduction <add>, %add3A_136, %reduce_sum3A [0] : vector<256x128xf32> to vector<128xf32>
    %broadcast_in_dim3A = vector.shape_cast %reduce_sum3A_144 : vector<128xf32> to vector<1x128xf32>
    %reduce_sum3A_145 = arith.constant dense<0.000000e+00> : vector<128xf32>
    %reduce_sum3A_146 = vector.multi_reduction <add>, %add3A_138, %reduce_sum3A_145 [0] : vector<256x128xf32> to vector<128xf32>
    %broadcast_in_dim3A_147 = vector.shape_cast %reduce_sum3A_146 : vector<128xf32> to vector<1x128xf32>
    %eq3A = arith.constant 0 : i32
    %eq3A_148 = arith.cmpi eq, %arg0, %eq3A : i32
    %eq3A_149 = arith.constant 0 : i32
    %eq3A_150 = arith.cmpi eq, %arg1, %eq3A_149 : i32
    %and3A = arith.andi %eq3A_148, %eq3A_150 : i1
    %convert_element_type3A = arith.extui %and3A : i1 to i32
    %cond3A = arith.constant 0 : i32
    %cond3A_151 = arith.cmpi ne, %convert_element_type3A, %cond3A : i32
    scf.if %cond3A_151 {
      %swap3A_156 = arith.constant 0 : index
      %swap3A_157 = arith.constant 0 : index
      %swap3A_158 = vector.load %arg6[%swap3A_156, %swap3A_157] : memref<1x128xf32, #tpu.memory_space<vmem>>, vector<1x128xf32>
      tpu.vector_store %arg6[%swap3A_156, %swap3A_157], %broadcast_in_dim3A {strides = array<i32>} : memref<1x128xf32, #tpu.memory_space<vmem>>, vector<1x128xf32>,
      %swap3A_159 = arith.constant 0 : index
      %swap3A_160 = arith.constant 0 : index
      %swap3A_161 = vector.load %arg7[%swap3A_159, %swap3A_160] : memref<1x128xf32, #tpu.memory_space<vmem>>, vector<1x128xf32>
      tpu.vector_store %arg7[%swap3A_159, %swap3A_160], %broadcast_in_dim3A_147 {strides = array<i32>} : memref<1x128xf32, #tpu.memory_space<vmem>>, vector<1x128xf32>,
    } else {
    }
    %not3A = arith.constant true
    %not3A_152 = arith.xori %and3A, %not3A : i1
    %convert_element_type3A_153 = arith.extui %not3A_152 : i1 to i32
    %cond3A_154 = arith.constant 0 : i32
    %cond3A_155 = arith.cmpi ne, %convert_element_type3A_153, %cond3A_154 : i32
    scf.if %cond3A_155 {
      %get3A_156 = arith.constant 0 : index
      %get3A_157 = arith.constant 0 : index
      %get3A_158 = vector.load %arg6[%get3A_156, %get3A_157] : memref<1x128xf32, #tpu.memory_space<vmem>>, vector<1x128xf32>
      %add3A_159 = arith.addf %get3A_158, %broadcast_in_dim3A : vector<1x128xf32>
      %swap3A_160 = arith.constant 0 : index
      %swap3A_161 = arith.constant 0 : index
      %swap3A_162 = vector.load %arg6[%swap3A_160, %swap3A_161] : memref<1x128xf32, #tpu.memory_space<vmem>>, vector<1x128xf32>
      tpu.vector_store %arg6[%swap3A_160, %swap3A_161], %add3A_159 {strides = array<i32>} : memref<1x128xf32, #tpu.memory_space<vmem>>, vector<1x128xf32>,
      %get3A_163 = arith.constant 0 : index
      %get3A_164 = arith.constant 0 : index
      %get3A_165 = vector.load %arg7[%get3A_163, %get3A_164] : memref<1x128xf32, #tpu.memory_space<vmem>>, vector<1x128xf32>
      %add3A_166 = arith.addf %get3A_165, %broadcast_in_dim3A_147 : vector<1x128xf32>
      %swap3A_167 = arith.constant 0 : index
      %swap3A_168 = arith.constant 0 : index
      %swap3A_169 = vector.load %arg7[%swap3A_167, %swap3A_168] : memref<1x128xf32, #tpu.memory_space<vmem>>, vector<1x128xf32>
      tpu.vector_store %arg7[%swap3A_167, %swap3A_168], %add3A_166 {strides = array<i32>} : memref<1x128xf32, #tpu.memory_space<vmem>>, vector<1x128xf32>,
    } else {
    }
    return
  }
  func.func @transform_0(%arg0: i32, %arg1: i32) -> (i32, i32, i32, i32) {
    %c0_i32 = arith.constant 0 : i32
    %c0_i32_0 = arith.constant 0 : i32
    %c0_i32_1 = arith.constant 0 : i32
    return %c0_i32, %arg0, %arg1, %c0_i32_0 : i32, i32, i32, i32
  }
  func.func @transform_1(%arg0: i32, %arg1: i32) -> (i32, i32, i32) {
    %c0_i32 = arith.constant 0 : i32
    %c0_i32_0 = arith.constant 0 : i32
    return %arg0, %arg1, %c0_i32 : i32, i32, i32
  }
  func.func @transform_2(%arg0: i32, %arg1: i32) -> (i32, i32) {
    %c0_i32 = arith.constant 0 : i32
    %c0_i32_0 = arith.constant 0 : i32
    %c0_i32_1 = arith.constant 0 : i32
    return %c0_i32, %c0_i32_0 : i32, i32
  }
  func.func @transform_3(%arg0: i32, %arg1: i32) -> (i32, i32, i32) {
    %c0_i32 = arith.constant 0 : i32
    %c0_i32_0 = arith.constant 0 : i32
    return %arg0, %arg1, %c0_i32 : i32, i32, i32
  }
  func.func @transform_4(%arg0: i32, %arg1: i32) -> (i32, i32) {
    %c0_i32 = arith.constant 0 : i32
    %c0_i32_0 = arith.constant 0 : i32
    %c0_i32_1 = arith.constant 0 : i32
    return %c0_i32, %c0_i32_0 : i32, i32
  }
  func.func @transform_5(%arg0: i32, %arg1: i32) -> (i32, i32) {
    %c0_i32 = arith.constant 0 : i32
    %c0_i32_0 = arith.constant 0 : i32
    %c0_i32_1 = arith.constant 0 : i32
    return %c0_i32, %c0_i32_0 : i32, i32
  }
}

module attributes {stable_mosaic.version = 14 : i64} {
  func.func @_stage4_body(%arg0: i32, %arg1: i32, %arg2: memref<1x512x128xf32, #tpu.memory_space<vmem>>, %arg3: memref<1x512x128xf32, #tpu.memory_space<vmem>>, %arg4: memref<1x128xf32, #tpu.memory_space<vmem>>, %arg5: memref<1x128xf32, #tpu.memory_space<vmem>>, %arg6: memref<128x256xf32, #tpu.memory_space<vmem>>, %arg7: memref<1x1x256xf32, #tpu.memory_space<vmem>>, %arg8: memref<1x256xf32, #tpu.memory_space<vmem>>, %arg9: memref<1x256xf32, #tpu.memory_space<vmem>>) attributes {dimension_semantics = [#tpu.dimension_semantics<arbitrary>, #tpu.dimension_semantics<arbitrary>], iteration_bounds = array<i64: 8, 4>, scalar_prefetch = 0 : i64, scratch_operands = 0 : i64, tpu.core_type = #tpu.core_type<tc>, window_params = [{transform_indices = @transform_0, window_bounds = array<i64: 1, 512, 128>}, {transform_indices = @transform_1, window_bounds = array<i64: 1, 512, 128>}, {pipeline_mode = #tpu.pipeline_mode<synchronous>, transform_indices = @transform_2, window_bounds = array<i64: 1, 128>}, {pipeline_mode = #tpu.pipeline_mode<synchronous>, transform_indices = @transform_3, window_bounds = array<i64: 1, 128>}, {pipeline_mode = #tpu.pipeline_mode<synchronous>, transform_indices = @transform_4, window_bounds = array<i64: 128, 256>}, {transform_indices = @transform_5, window_bounds = array<i64: 1, 1, 256>}, {pipeline_mode = #tpu.pipeline_mode<synchronous>, transform_indices = @transform_6, window_bounds = array<i64: 1, 256>}, {pipeline_mode = #tpu.pipeline_mode<synchronous>, transform_indices = @transform_7, window_bounds = array<i64: 1, 256>}]} {
    %get3A = arith.constant 0 : index
    %get3A_0 = arith.constant 0 : index
    %get3A_1 = arith.constant 0 : index
    %get3A_2 = vector.load %arg2[%get3A, %get3A_0, %get3A_1] : memref<1x512x128xf32, #tpu.memory_space<vmem>>, vector<1x512x128xf32>
    %get3A_3 = vector.shape_cast %get3A_2 : vector<1x512x128xf32> to vector<512x128xf32>
    %get3A_4 = arith.constant 0 : index
    %get3A_5 = arith.constant 0 : index
    %get3A_6 = arith.constant 0 : index
    %get3A_7 = vector.load %arg3[%get3A_4, %get3A_5, %get3A_6] : memref<1x512x128xf32, #tpu.memory_space<vmem>>, vector<1x512x128xf32>
    %get3A_8 = vector.shape_cast %get3A_7 : vector<1x512x128xf32> to vector<512x128xf32>
    %get3A_9 = arith.constant 0 : index
    %get3A_10 = arith.constant 0 : index
    %get3A_11 = vector.load %arg4[%get3A_9, %get3A_10] : memref<1x128xf32, #tpu.memory_space<vmem>>, vector<1x128xf32>
    %mul3A = vector.broadcast %get3A_11 : vector<1x128xf32> to vector<512x128xf32>
    %mul3A_12 = arith.mulf %get3A_8, %mul3A : vector<512x128xf32>
    %get3A_13 = arith.constant 0 : index
    %get3A_14 = arith.constant 0 : index
    %get3A_15 = vector.load %arg5[%get3A_13, %get3A_14] : memref<1x128xf32, #tpu.memory_space<vmem>>, vector<1x128xf32>
    %add3A = vector.broadcast %get3A_15 : vector<1x128xf32> to vector<512x128xf32>
    %add3A_16 = arith.addf %mul3A_12, %add3A : vector<512x128xf32>
    %mul3A_17 = arith.constant 2.000000e-01 : f32
    %mul3A_18 = vector.broadcast %mul3A_17 : f32 to vector<512x128xf32>
    %mul3A_19 = arith.mulf %mul3A_18, %add3A_16 : vector<512x128xf32>
    %max3A = arith.maximumf %add3A_16, %mul3A_19 : vector<512x128xf32>
    %add3A_20 = arith.addf %get3A_3, %max3A : vector<512x128xf32>
    %get3A_21 = arith.constant 0 : index
    %get3A_22 = arith.constant 0 : index
    %get3A_23 = vector.load %arg6[%get3A_21, %get3A_22] : memref<128x256xf32, #tpu.memory_space<vmem>>, vector<128x256xf32>
    %dot_general3A = arith.constant dense<0.000000e+00> : vector<512x256xf32>
    %dot_general3A_24 = tpu.matmul %add3A_20, %get3A_23, %dot_general3A {dimension_numbers = #tpu.dot_dimension_numbers<[1], [0], [0], [1], [0, 0, 1, 1], [], []>, transpose_lhs_hint = false} : vector<512x128xf32>, vector<128x256xf32>, vector<512x256xf32> -> vector<512x256xf32>
    %reduce_max3A = arith.constant dense<0xFF800000> : vector<256xf32>
    %reduce_max3A_25 = vector.multi_reduction <maximumf>, %dot_general3A_24, %reduce_max3A [0] : vector<512x256xf32> to vector<256xf32>
    %broadcast_in_dim3A = vector.shape_cast %reduce_max3A_25 : vector<256xf32> to vector<1x256xf32>
    %reduce_sum3A = arith.constant dense<0.000000e+00> : vector<256xf32>
    %reduce_sum3A_26 = vector.multi_reduction <add>, %dot_general3A_24, %reduce_sum3A [0] : vector<512x256xf32> to vector<256xf32>
    %broadcast_in_dim3A_27 = vector.shape_cast %reduce_sum3A_26 : vector<256xf32> to vector<1x256xf32>
    %mul3A_28 = arith.mulf %dot_general3A_24, %dot_general3A_24 : vector<512x256xf32>
    %reduce_sum3A_29 = arith.constant dense<0.000000e+00> : vector<256xf32>
    %reduce_sum3A_30 = vector.multi_reduction <add>, %mul3A_28, %reduce_sum3A_29 [0] : vector<512x256xf32> to vector<256xf32>
    %broadcast_in_dim3A_31 = vector.shape_cast %reduce_sum3A_30 : vector<256xf32> to vector<1x256xf32>
    %eq3A = arith.constant 0 : i32
    %eq3A_32 = arith.cmpi eq, %arg1, %eq3A : i32
    %convert_element_type3A = arith.extui %eq3A_32 : i1 to i32
    %cond3A = arith.constant 0 : i32
    %cond3A_33 = arith.cmpi ne, %convert_element_type3A, %cond3A : i32
    scf.if %cond3A_33 {
      %swap3A = arith.constant 0 : index
      %swap3A_49 = arith.constant 0 : index
      %swap3A_50 = arith.constant 0 : index
      %swap3A_51 = vector.load %arg7[%swap3A, %swap3A_49, %swap3A_50] : memref<1x1x256xf32, #tpu.memory_space<vmem>>, vector<1x1x256xf32>
      %swap3A_52 = vector.shape_cast %swap3A_51 : vector<1x1x256xf32> to vector<1x256xf32>
      %swap3A_53 = vector.shape_cast %broadcast_in_dim3A : vector<1x256xf32> to vector<1x1x256xf32>
      tpu.vector_store %arg7[%swap3A, %swap3A_49, %swap3A_50], %swap3A_53 {strides = array<i32>} : memref<1x1x256xf32, #tpu.memory_space<vmem>>, vector<1x1x256xf32>,
    } else {
    }
    %ne3A = arith.constant 0 : i32
    %ne3A_34 = arith.cmpi ne, %arg1, %ne3A : i32
    %convert_element_type3A_35 = arith.extui %ne3A_34 : i1 to i32
    %cond3A_36 = arith.constant 0 : i32
    %cond3A_37 = arith.cmpi ne, %convert_element_type3A_35, %cond3A_36 : i32
    scf.if %cond3A_37 {
      %get3A_49 = arith.constant 0 : index
      %get3A_50 = arith.constant 0 : index
      %get3A_51 = arith.constant 0 : index
      %get3A_52 = vector.load %arg7[%get3A_49, %get3A_50, %get3A_51] : memref<1x1x256xf32, #tpu.memory_space<vmem>>, vector<1x1x256xf32>
      %get3A_53 = vector.shape_cast %get3A_52 : vector<1x1x256xf32> to vector<1x256xf32>
      %max3A_54 = arith.maximumf %get3A_53, %broadcast_in_dim3A : vector<1x256xf32>
      %swap3A = arith.constant 0 : index
      %swap3A_55 = arith.constant 0 : index
      %swap3A_56 = arith.constant 0 : index
      %swap3A_57 = vector.load %arg7[%swap3A, %swap3A_55, %swap3A_56] : memref<1x1x256xf32, #tpu.memory_space<vmem>>, vector<1x1x256xf32>
      %swap3A_58 = vector.shape_cast %swap3A_57 : vector<1x1x256xf32> to vector<1x256xf32>
      %swap3A_59 = vector.shape_cast %max3A_54 : vector<1x256xf32> to vector<1x1x256xf32>
      tpu.vector_store %arg7[%swap3A, %swap3A_55, %swap3A_56], %swap3A_59 {strides = array<i32>} : memref<1x1x256xf32, #tpu.memory_space<vmem>>, vector<1x1x256xf32>,
    } else {
    }
    %eq3A_38 = arith.constant 0 : i32
    %eq3A_39 = arith.cmpi eq, %arg0, %eq3A_38 : i32
    %eq3A_40 = arith.constant 0 : i32
    %eq3A_41 = arith.cmpi eq, %arg1, %eq3A_40 : i32
    %and3A = arith.andi %eq3A_39, %eq3A_41 : i1
    %convert_element_type3A_42 = arith.extui %and3A : i1 to i32
    %cond3A_43 = arith.constant 0 : i32
    %cond3A_44 = arith.cmpi ne, %convert_element_type3A_42, %cond3A_43 : i32
    scf.if %cond3A_44 {
      %swap3A = arith.constant 0 : index
      %swap3A_49 = arith.constant 0 : index
      %swap3A_50 = vector.load %arg8[%swap3A, %swap3A_49] : memref<1x256xf32, #tpu.memory_space<vmem>>, vector<1x256xf32>
      tpu.vector_store %arg8[%swap3A, %swap3A_49], %broadcast_in_dim3A_27 {strides = array<i32>} : memref<1x256xf32, #tpu.memory_space<vmem>>, vector<1x256xf32>,
      %swap3A_51 = arith.constant 0 : index
      %swap3A_52 = arith.constant 0 : index
      %swap3A_53 = vector.load %arg9[%swap3A_51, %swap3A_52] : memref<1x256xf32, #tpu.memory_space<vmem>>, vector<1x256xf32>
      tpu.vector_store %arg9[%swap3A_51, %swap3A_52], %broadcast_in_dim3A_31 {strides = array<i32>} : memref<1x256xf32, #tpu.memory_space<vmem>>, vector<1x256xf32>,
    } else {
    }
    %not3A = arith.constant true
    %not3A_45 = arith.xori %and3A, %not3A : i1
    %convert_element_type3A_46 = arith.extui %not3A_45 : i1 to i32
    %cond3A_47 = arith.constant 0 : i32
    %cond3A_48 = arith.cmpi ne, %convert_element_type3A_46, %cond3A_47 : i32
    scf.if %cond3A_48 {
      %get3A_49 = arith.constant 0 : index
      %get3A_50 = arith.constant 0 : index
      %get3A_51 = vector.load %arg8[%get3A_49, %get3A_50] : memref<1x256xf32, #tpu.memory_space<vmem>>, vector<1x256xf32>
      %add3A_52 = arith.addf %get3A_51, %broadcast_in_dim3A_27 : vector<1x256xf32>
      %swap3A = arith.constant 0 : index
      %swap3A_53 = arith.constant 0 : index
      %swap3A_54 = vector.load %arg8[%swap3A, %swap3A_53] : memref<1x256xf32, #tpu.memory_space<vmem>>, vector<1x256xf32>
      tpu.vector_store %arg8[%swap3A, %swap3A_53], %add3A_52 {strides = array<i32>} : memref<1x256xf32, #tpu.memory_space<vmem>>, vector<1x256xf32>,
      %get3A_55 = arith.constant 0 : index
      %get3A_56 = arith.constant 0 : index
      %get3A_57 = vector.load %arg9[%get3A_55, %get3A_56] : memref<1x256xf32, #tpu.memory_space<vmem>>, vector<1x256xf32>
      %add3A_58 = arith.addf %get3A_57, %broadcast_in_dim3A_31 : vector<1x256xf32>
      %swap3A_59 = arith.constant 0 : index
      %swap3A_60 = arith.constant 0 : index
      %swap3A_61 = vector.load %arg9[%swap3A_59, %swap3A_60] : memref<1x256xf32, #tpu.memory_space<vmem>>, vector<1x256xf32>
      tpu.vector_store %arg9[%swap3A_59, %swap3A_60], %add3A_58 {strides = array<i32>} : memref<1x256xf32, #tpu.memory_space<vmem>>, vector<1x256xf32>,
    } else {
    }
    return
  }
  func.func @transform_0(%arg0: i32, %arg1: i32) -> (i32, i32, i32) {
    %c0_i32 = arith.constant 0 : i32
    %c0_i32_0 = arith.constant 0 : i32
    return %arg0, %arg1, %c0_i32 : i32, i32, i32
  }
  func.func @transform_1(%arg0: i32, %arg1: i32) -> (i32, i32, i32) {
    %c0_i32 = arith.constant 0 : i32
    %c0_i32_0 = arith.constant 0 : i32
    return %arg0, %arg1, %c0_i32 : i32, i32, i32
  }
  func.func @transform_2(%arg0: i32, %arg1: i32) -> (i32, i32) {
    %c0_i32 = arith.constant 0 : i32
    %c0_i32_0 = arith.constant 0 : i32
    %c0_i32_1 = arith.constant 0 : i32
    return %c0_i32, %c0_i32_0 : i32, i32
  }
  func.func @transform_3(%arg0: i32, %arg1: i32) -> (i32, i32) {
    %c0_i32 = arith.constant 0 : i32
    %c0_i32_0 = arith.constant 0 : i32
    %c0_i32_1 = arith.constant 0 : i32
    return %c0_i32, %c0_i32_0 : i32, i32
  }
  func.func @transform_4(%arg0: i32, %arg1: i32) -> (i32, i32) {
    %c0_i32 = arith.constant 0 : i32
    %c0_i32_0 = arith.constant 0 : i32
    %c0_i32_1 = arith.constant 0 : i32
    return %c0_i32, %c0_i32_0 : i32, i32
  }
  func.func @transform_5(%arg0: i32, %arg1: i32) -> (i32, i32, i32) {
    %c0_i32 = arith.constant 0 : i32
    %c0_i32_0 = arith.constant 0 : i32
    %c0_i32_1 = arith.constant 0 : i32
    return %arg0, %c0_i32, %c0_i32_0 : i32, i32, i32
  }
  func.func @transform_6(%arg0: i32, %arg1: i32) -> (i32, i32) {
    %c0_i32 = arith.constant 0 : i32
    %c0_i32_0 = arith.constant 0 : i32
    %c0_i32_1 = arith.constant 0 : i32
    return %c0_i32, %c0_i32_0 : i32, i32
  }
  func.func @transform_7(%arg0: i32, %arg1: i32) -> (i32, i32) {
    %c0_i32 = arith.constant 0 : i32
    %c0_i32_0 = arith.constant 0 : i32
    %c0_i32_1 = arith.constant 0 : i32
    return %c0_i32, %c0_i32_0 : i32, i32
  }
}

module attributes {stable_mosaic.version = 14 : i64} {
  func.func @_head_body(%arg0: i32, %arg1: memref<8x256xf32, #tpu.memory_space<vmem>>, %arg2: memref<1x256xf32, #tpu.memory_space<vmem>>, %arg3: memref<1x256xf32, #tpu.memory_space<vmem>>, %arg4: memref<256x128xf32, #tpu.memory_space<vmem>>, %arg5: memref<1x128xf32, #tpu.memory_space<vmem>>, %arg6: memref<1x128xf32, #tpu.memory_space<vmem>>, %arg7: memref<128x64xf32, #tpu.memory_space<vmem>>, %arg8: memref<1x64xf32, #tpu.memory_space<vmem>>, %arg9: memref<1x64xf32, #tpu.memory_space<vmem>>, %arg10: memref<64x128xf32, #tpu.memory_space<vmem>>, %arg11: memref<1x128xf32, #tpu.memory_space<vmem>>, %arg12: memref<8x128xf32, #tpu.memory_space<vmem>>) attributes {dimension_semantics = [#tpu.dimension_semantics<arbitrary>], iteration_bounds = array<i64: 1>, scalar_prefetch = 0 : i64, scratch_operands = 0 : i64, tpu.core_type = #tpu.core_type<tc>, window_params = [{pipeline_mode = #tpu.pipeline_mode<synchronous>, transform_indices = @transform_0, window_bounds = array<i64: 8, 256>}, {pipeline_mode = #tpu.pipeline_mode<synchronous>, transform_indices = @transform_1, window_bounds = array<i64: 1, 256>}, {pipeline_mode = #tpu.pipeline_mode<synchronous>, transform_indices = @transform_2, window_bounds = array<i64: 1, 256>}, {pipeline_mode = #tpu.pipeline_mode<synchronous>, transform_indices = @transform_3, window_bounds = array<i64: 256, 128>}, {pipeline_mode = #tpu.pipeline_mode<synchronous>, transform_indices = @transform_4, window_bounds = array<i64: 1, 128>}, {pipeline_mode = #tpu.pipeline_mode<synchronous>, transform_indices = @transform_5, window_bounds = array<i64: 1, 128>}, {pipeline_mode = #tpu.pipeline_mode<synchronous>, transform_indices = @transform_6, window_bounds = array<i64: 128, 64>}, {pipeline_mode = #tpu.pipeline_mode<synchronous>, transform_indices = @transform_7, window_bounds = array<i64: 1, 64>}, {pipeline_mode = #tpu.pipeline_mode<synchronous>, transform_indices = @transform_8, window_bounds = array<i64: 1, 64>}, {pipeline_mode = #tpu.pipeline_mode<synchronous>, transform_indices = @transform_9, window_bounds = array<i64: 64, 128>}, {pipeline_mode = #tpu.pipeline_mode<synchronous>, transform_indices = @transform_10, window_bounds = array<i64: 1, 128>}, {pipeline_mode = #tpu.pipeline_mode<synchronous>, transform_indices = @transform_11, window_bounds = array<i64: 8, 128>}]} {
    %get3A = arith.constant 0 : index
    %get3A_0 = arith.constant 0 : index
    %get3A_1 = vector.load %arg1[%get3A, %get3A_0] : memref<8x256xf32, #tpu.memory_space<vmem>>, vector<8x256xf32>
    %get3A_2 = arith.constant 0 : index
    %get3A_3 = arith.constant 0 : index
    %get3A_4 = vector.load %arg2[%get3A_2, %get3A_3] : memref<1x256xf32, #tpu.memory_space<vmem>>, vector<1x256xf32>
    %mul3A = vector.broadcast %get3A_4 : vector<1x256xf32> to vector<8x256xf32>
    %mul3A_5 = arith.mulf %get3A_1, %mul3A : vector<8x256xf32>
    %get3A_6 = arith.constant 0 : index
    %get3A_7 = arith.constant 0 : index
    %get3A_8 = vector.load %arg3[%get3A_6, %get3A_7] : memref<1x256xf32, #tpu.memory_space<vmem>>, vector<1x256xf32>
    %add3A = vector.broadcast %get3A_8 : vector<1x256xf32> to vector<8x256xf32>
    %add3A_9 = arith.addf %mul3A_5, %add3A : vector<8x256xf32>
    %mul3A_10 = arith.constant 2.000000e-01 : f32
    %mul3A_11 = vector.broadcast %mul3A_10 : f32 to vector<8x256xf32>
    %mul3A_12 = arith.mulf %mul3A_11, %add3A_9 : vector<8x256xf32>
    %max3A = arith.maximumf %add3A_9, %mul3A_12 : vector<8x256xf32>
    %get3A_13 = arith.constant 0 : index
    %get3A_14 = arith.constant 0 : index
    %get3A_15 = vector.load %arg4[%get3A_13, %get3A_14] : memref<256x128xf32, #tpu.memory_space<vmem>>, vector<256x128xf32>
    %dot_general3A = arith.constant dense<0.000000e+00> : vector<8x128xf32>
    %dot_general3A_16 = tpu.matmul %max3A, %get3A_15, %dot_general3A {dimension_numbers = #tpu.dot_dimension_numbers<[1], [0], [0], [1], [0, 0, 1, 1], [], []>, transpose_lhs_hint = false} : vector<8x256xf32>, vector<256x128xf32>, vector<8x128xf32> -> vector<8x128xf32>
    %reduce_sum3A = arith.constant dense<0.000000e+00> : vector<128xf32>
    %reduce_sum3A_17 = vector.multi_reduction <add>, %dot_general3A_16, %reduce_sum3A [0] : vector<8x128xf32> to vector<128xf32>
    %broadcast_in_dim3A = vector.shape_cast %reduce_sum3A_17 : vector<128xf32> to vector<1x128xf32>
    %div3A = arith.constant 8.000000e+00 : f32
    %div3A_18 = vector.broadcast %div3A : f32 to vector<1x128xf32>
    %div3A_19 = arith.divf %broadcast_in_dim3A, %div3A_18 : vector<1x128xf32>
    %mul3A_20 = arith.mulf %dot_general3A_16, %dot_general3A_16 : vector<8x128xf32>
    %reduce_sum3A_21 = arith.constant dense<0.000000e+00> : vector<128xf32>
    %reduce_sum3A_22 = vector.multi_reduction <add>, %mul3A_20, %reduce_sum3A_21 [0] : vector<8x128xf32> to vector<128xf32>
    %broadcast_in_dim3A_23 = vector.shape_cast %reduce_sum3A_22 : vector<128xf32> to vector<1x128xf32>
    %div3A_24 = arith.constant 8.000000e+00 : f32
    %div3A_25 = vector.broadcast %div3A_24 : f32 to vector<1x128xf32>
    %div3A_26 = arith.divf %broadcast_in_dim3A_23, %div3A_25 : vector<1x128xf32>
    %mul3A_27 = arith.mulf %div3A_19, %div3A_19 : vector<1x128xf32>
    %sub3A = arith.subf %div3A_26, %mul3A_27 : vector<1x128xf32>
    %sub3A_28 = vector.broadcast %div3A_19 : vector<1x128xf32> to vector<8x128xf32>
    %sub3A_29 = arith.subf %dot_general3A_16, %sub3A_28 : vector<8x128xf32>
    %add3A_30 = arith.constant 9.99999974E-6 : f32
    %add3A_31 = vector.broadcast %add3A_30 : f32 to vector<1x128xf32>
    %add3A_32 = arith.addf %sub3A, %add3A_31 : vector<1x128xf32>
    %rsqrt3A = math.rsqrt %add3A_32 : vector<1x128xf32>
    %mul3A_33 = vector.broadcast %rsqrt3A : vector<1x128xf32> to vector<8x128xf32>
    %mul3A_34 = arith.mulf %sub3A_29, %mul3A_33 : vector<8x128xf32>
    %get3A_35 = arith.constant 0 : index
    %get3A_36 = arith.constant 0 : index
    %get3A_37 = vector.load %arg5[%get3A_35, %get3A_36] : memref<1x128xf32, #tpu.memory_space<vmem>>, vector<1x128xf32>
    %mul3A_38 = vector.broadcast %get3A_37 : vector<1x128xf32> to vector<8x128xf32>
    %mul3A_39 = arith.mulf %mul3A_34, %mul3A_38 : vector<8x128xf32>
    %get3A_40 = arith.constant 0 : index
    %get3A_41 = arith.constant 0 : index
    %get3A_42 = vector.load %arg6[%get3A_40, %get3A_41] : memref<1x128xf32, #tpu.memory_space<vmem>>, vector<1x128xf32>
    %add3A_43 = vector.broadcast %get3A_42 : vector<1x128xf32> to vector<8x128xf32>
    %add3A_44 = arith.addf %mul3A_39, %add3A_43 : vector<8x128xf32>
    %mul3A_45 = arith.constant 2.000000e-01 : f32
    %mul3A_46 = vector.broadcast %mul3A_45 : f32 to vector<8x128xf32>
    %mul3A_47 = arith.mulf %mul3A_46, %add3A_44 : vector<8x128xf32>
    %max3A_48 = arith.maximumf %add3A_44, %mul3A_47 : vector<8x128xf32>
    %get3A_49 = arith.constant 0 : index
    %get3A_50 = arith.constant 0 : index
    %get3A_51 = vector.load %arg7[%get3A_49, %get3A_50] : memref<128x64xf32, #tpu.memory_space<vmem>>, vector<128x64xf32>
    %dot_general3A_52 = arith.constant dense<0.000000e+00> : vector<8x64xf32>
    %dot_general3A_53 = tpu.matmul %max3A_48, %get3A_51, %dot_general3A_52 {dimension_numbers = #tpu.dot_dimension_numbers<[1], [0], [0], [1], [0, 0, 1, 1], [], []>, transpose_lhs_hint = false} : vector<8x128xf32>, vector<128x64xf32>, vector<8x64xf32> -> vector<8x64xf32>
    %reduce_sum3A_54 = arith.constant dense<0.000000e+00> : vector<64xf32>
    %reduce_sum3A_55 = vector.multi_reduction <add>, %dot_general3A_53, %reduce_sum3A_54 [0] : vector<8x64xf32> to vector<64xf32>
    %broadcast_in_dim3A_56 = vector.shape_cast %reduce_sum3A_55 : vector<64xf32> to vector<1x64xf32>
    %div3A_57 = arith.constant 8.000000e+00 : f32
    %div3A_58 = vector.broadcast %div3A_57 : f32 to vector<1x64xf32>
    %div3A_59 = arith.divf %broadcast_in_dim3A_56, %div3A_58 : vector<1x64xf32>
    %mul3A_60 = arith.mulf %dot_general3A_53, %dot_general3A_53 : vector<8x64xf32>
    %reduce_sum3A_61 = arith.constant dense<0.000000e+00> : vector<64xf32>
    %reduce_sum3A_62 = vector.multi_reduction <add>, %mul3A_60, %reduce_sum3A_61 [0] : vector<8x64xf32> to vector<64xf32>
    %broadcast_in_dim3A_63 = vector.shape_cast %reduce_sum3A_62 : vector<64xf32> to vector<1x64xf32>
    %div3A_64 = arith.constant 8.000000e+00 : f32
    %div3A_65 = vector.broadcast %div3A_64 : f32 to vector<1x64xf32>
    %div3A_66 = arith.divf %broadcast_in_dim3A_63, %div3A_65 : vector<1x64xf32>
    %mul3A_67 = arith.mulf %div3A_59, %div3A_59 : vector<1x64xf32>
    %sub3A_68 = arith.subf %div3A_66, %mul3A_67 : vector<1x64xf32>
    %sub3A_69 = vector.broadcast %div3A_59 : vector<1x64xf32> to vector<8x64xf32>
    %sub3A_70 = arith.subf %dot_general3A_53, %sub3A_69 : vector<8x64xf32>
    %add3A_71 = arith.constant 9.99999974E-6 : f32
    %add3A_72 = vector.broadcast %add3A_71 : f32 to vector<1x64xf32>
    %add3A_73 = arith.addf %sub3A_68, %add3A_72 : vector<1x64xf32>
    %rsqrt3A_74 = math.rsqrt %add3A_73 : vector<1x64xf32>
    %mul3A_75 = vector.broadcast %rsqrt3A_74 : vector<1x64xf32> to vector<8x64xf32>
    %mul3A_76 = arith.mulf %sub3A_70, %mul3A_75 : vector<8x64xf32>
    %get3A_77 = arith.constant 0 : index
    %get3A_78 = arith.constant 0 : index
    %get3A_79 = vector.load %arg8[%get3A_77, %get3A_78] : memref<1x64xf32, #tpu.memory_space<vmem>>, vector<1x64xf32>
    %mul3A_80 = vector.broadcast %get3A_79 : vector<1x64xf32> to vector<8x64xf32>
    %mul3A_81 = arith.mulf %mul3A_76, %mul3A_80 : vector<8x64xf32>
    %get3A_82 = arith.constant 0 : index
    %get3A_83 = arith.constant 0 : index
    %get3A_84 = vector.load %arg9[%get3A_82, %get3A_83] : memref<1x64xf32, #tpu.memory_space<vmem>>, vector<1x64xf32>
    %add3A_85 = vector.broadcast %get3A_84 : vector<1x64xf32> to vector<8x64xf32>
    %add3A_86 = arith.addf %mul3A_81, %add3A_85 : vector<8x64xf32>
    %mul3A_87 = arith.constant 2.000000e-01 : f32
    %mul3A_88 = vector.broadcast %mul3A_87 : f32 to vector<8x64xf32>
    %mul3A_89 = arith.mulf %mul3A_88, %add3A_86 : vector<8x64xf32>
    %max3A_90 = arith.maximumf %add3A_86, %mul3A_89 : vector<8x64xf32>
    %get3A_91 = arith.constant 0 : index
    %get3A_92 = arith.constant 0 : index
    %get3A_93 = vector.load %arg10[%get3A_91, %get3A_92] : memref<64x128xf32, #tpu.memory_space<vmem>>, vector<64x128xf32>
    %dot_general3A_94 = arith.constant dense<0.000000e+00> : vector<8x128xf32>
    %dot_general3A_95 = tpu.matmul %max3A_90, %get3A_93, %dot_general3A_94 {dimension_numbers = #tpu.dot_dimension_numbers<[1], [0], [0], [1], [0, 0, 1, 1], [], []>, transpose_lhs_hint = false} : vector<8x64xf32>, vector<64x128xf32>, vector<8x128xf32> -> vector<8x128xf32>
    %get3A_96 = arith.constant 0 : index
    %get3A_97 = arith.constant 0 : index
    %get3A_98 = vector.load %arg11[%get3A_96, %get3A_97] : memref<1x128xf32, #tpu.memory_space<vmem>>, vector<1x128xf32>
    %add3A_99 = vector.broadcast %get3A_98 : vector<1x128xf32> to vector<8x128xf32>
    %add3A_100 = arith.addf %dot_general3A_95, %add3A_99 : vector<8x128xf32>
    %swap3A = arith.constant 0 : index
    %swap3A_101 = arith.constant 0 : index
    %swap3A_102 = vector.load %arg12[%swap3A, %swap3A_101] : memref<8x128xf32, #tpu.memory_space<vmem>>, vector<8x128xf32>
    tpu.vector_store %arg12[%swap3A, %swap3A_101], %add3A_100 {strides = array<i32>} : memref<8x128xf32, #tpu.memory_space<vmem>>, vector<8x128xf32>,
    return
  }
  func.func @transform_0(%arg0: i32) -> (i32, i32) {
    %c0_i32 = arith.constant 0 : i32
    %c0_i32_0 = arith.constant 0 : i32
    %c0_i32_1 = arith.constant 0 : i32
    return %c0_i32, %c0_i32_0 : i32, i32
  }
  func.func @transform_1(%arg0: i32) -> (i32, i32) {
    %c0_i32 = arith.constant 0 : i32
    %c0_i32_0 = arith.constant 0 : i32
    %c0_i32_1 = arith.constant 0 : i32
    return %c0_i32, %c0_i32_0 : i32, i32
  }
  func.func @transform_2(%arg0: i32) -> (i32, i32) {
    %c0_i32 = arith.constant 0 : i32
    %c0_i32_0 = arith.constant 0 : i32
    %c0_i32_1 = arith.constant 0 : i32
    return %c0_i32, %c0_i32_0 : i32, i32
  }
  func.func @transform_3(%arg0: i32) -> (i32, i32) {
    %c0_i32 = arith.constant 0 : i32
    %c0_i32_0 = arith.constant 0 : i32
    %c0_i32_1 = arith.constant 0 : i32
    return %c0_i32, %c0_i32_0 : i32, i32
  }
  func.func @transform_4(%arg0: i32) -> (i32, i32) {
    %c0_i32 = arith.constant 0 : i32
    %c0_i32_0 = arith.constant 0 : i32
    %c0_i32_1 = arith.constant 0 : i32
    return %c0_i32, %c0_i32_0 : i32, i32
  }
  func.func @transform_5(%arg0: i32) -> (i32, i32) {
    %c0_i32 = arith.constant 0 : i32
    %c0_i32_0 = arith.constant 0 : i32
    %c0_i32_1 = arith.constant 0 : i32
    return %c0_i32, %c0_i32_0 : i32, i32
  }
  func.func @transform_6(%arg0: i32) -> (i32, i32) {
    %c0_i32 = arith.constant 0 : i32
    %c0_i32_0 = arith.constant 0 : i32
    %c0_i32_1 = arith.constant 0 : i32
    return %c0_i32, %c0_i32_0 : i32, i32
  }
  func.func @transform_7(%arg0: i32) -> (i32, i32) {
    %c0_i32 = arith.constant 0 : i32
    %c0_i32_0 = arith.constant 0 : i32
    %c0_i32_1 = arith.constant 0 : i32
    return %c0_i32, %c0_i32_0 : i32, i32
  }
  func.func @transform_8(%arg0: i32) -> (i32, i32) {
    %c0_i32 = arith.constant 0 : i32
    %c0_i32_0 = arith.constant 0 : i32
    %c0_i32_1 = arith.constant 0 : i32
    return %c0_i32, %c0_i32_0 : i32, i32
  }
  func.func @transform_9(%arg0: i32) -> (i32, i32) {
    %c0_i32 = arith.constant 0 : i32
    %c0_i32_0 = arith.constant 0 : i32
    %c0_i32_1 = arith.constant 0 : i32
    return %c0_i32, %c0_i32_0 : i32, i32
  }
  func.func @transform_10(%arg0: i32) -> (i32, i32) {
    %c0_i32 = arith.constant 0 : i32
    %c0_i32_0 = arith.constant 0 : i32
    %c0_i32_1 = arith.constant 0 : i32
    return %c0_i32, %c0_i32_0 : i32, i32
  }
  func.func @transform_11(%arg0: i32) -> (i32, i32) {
    %c0_i32 = arith.constant 0 : i32
    %c0_i32_0 = arith.constant 0 : i32
    %c0_i32_1 = arith.constant 0 : i32
    return %c0_i32, %c0_i32_0 : i32, i32
  }
}

</mosaic_0001>

<sc_bundles>
// kernel: kernel.11.cloned.1.call-start
scs
__scs_entry_jumppad:
0x0: {  	(pc) =	sbr.rel $0x88, $3  }
0x1: {  	(tag) =	ssettag $0x0;
	lr =	simm.s32 $0x1  }
0x2: {  	[smem:$0x3F8A] =	sst lr;
	_ =	strace $0xD0000000  }
0x3: {  	_ = 	snop  }
0x4: {  	_ = 	snop  }
0x5: {  	_ = 	snop  }
0x6: {  	_ = 	snop  }
0x7: {  	_ = 	snop  }
__scs_overlays_trampoline_lowered:
0x8: {  	[smem:$0x3F99] =	sst s0  }
0x9: {  	[smem:$0x3F9A] =	sst s1  }
0xa: {  	[smem:$0x3F9B] =	sst s2  }
0xb: {  	[smem:$0x3F9C] =	sst s3  }
0xc: {  	[smem:$0x3F9D] =	sst s4  }
0xd: {  	[smem:$0x3F9E] =	sst s5  }
0xe: {  	[smem:$0x3F9F] =	sst s6  }
0xf: {  	[smem:$0x3FA0] =	sst s7  }
0x10: {  	[smem:$0x3FA1] =	sst s8  }
0x11: {  	[smem:$0x3FA2] =	sst s9;
	s0 =	simm.s32 @!p0 $0x0  }
0x12: {  	s1 =	sld [smem:$0x3F88];
	s0 =	simm.s32 @p0 $0x1  }
0x13: {  	[smem:$0x3FA3] =	sst s0;
	s0 =	simm.s32 @!p1 $0x0  }
0x14: {  	s2 =	sld [smem:$0x3F87];
	s0 =	simm.s32 @p1 $0x1  }
0x15: {  	[smem:$0x3FA4] =	sst s0;
	s0 =	simm.s32 @!p2 $0x0  }
0x16: {  	s3 =	sld [smem:$0x3FDB];
	s0 =	simm.s32 @p2 $0x1  }
0x17: {  	s4 =	simm.s32 $0x1BF5;
	[smem:$0x3FA6] =	sst s0  }
0x18: {  	s0 =	sld [smem:$0x3F89];
	_ =	swait.ge [sflag:s4], $0x0  }
0x19: {  	s7 =	sld [smem:$0x3F8A]  }
0x1a: {  	s8 =	sadd.s32 $0xFFFFE003, lr  }
0x1b: {  	s9 =	sadd.s32 $0xFFFFFEF7, lr;
	s5 =	simm.s32 $0xFFFFFFFF;
	p2 =	slt.u32 s8, $0xFFFFF086  }
0x1c: {  	p1 =	slt.u32 s9, $0xF7A;
	s5 =	simm.s32 @!p2 $0x0  }
0x1d: {  	s5 =	simm.s32 @p1 $0x1;
	p0 =	seq.s32 s7, s2  }
0x1e: {  	s7 =	smul.u32 @!p0 $0xF7A, s2;
	p2 =	seq.s32 @!p0 s5, $0x0  }
0x1f: {  	s9 =	smul.u32 $0xF7A, s1;
	s8 =	simm.s32 @!p0 $0x1BF5;
	p2 =	por !p2, p0  }
0x20: {  	[sflag:s8] =	ssyncset.s32 @!p0 $0xFFFFF086;
	s6 =	sadd.s32 @!p0 s3, s7;
	s7 =	simm.s32 @!p0 $0x108  }
0x21: {  	s3 =	sadd.s32 s3, s9;
	s6 =	sadd.s32 @!p0 $0x88, s6;
	s7 =	simm.s32 @p2 $0x1082  }
0x22: {  	[simem:s7], [sflag:s8] =	dma.local @!p0 [hbm:s6], $0xF7A  }
0x23: {  	s9 =	sor.u32 $0xD0000000, s2;
	s6 =	simm.s32 $0x108;
	_ =	swait.ge @!p0 [sflag:s8], $0x0  }
0x24: {  	s3 =	sadd.s32 $0x88, s3;
	s6 =	simm.s32 @!p1 $0x1082;
	[sflag:s4] =	ssyncset.s32 $0xFFFFF086  }
0x25: {  	[simem:s6], [sflag:s4] =	dma.local [hbm:s3], $0xF7A  }
0x26: {  	[smem:$0x3F8A] =	sst s1;
	(tag) =	ssettag s2;
	_ =	strace s9  }
0x27: {  	s1 =	sld [smem:$0x3F9A]  }
0x28: {  	s2 =	sld [smem:$0x3F9B]  }
0x29: {  	s4 =	sld [smem:$0x3F9D]  }
0x2a: {  	p0 =	seq.s32 s5, $0x0;
	s5 =	sld [smem:$0x3F9E]  }
0x2b: {  	s6 =	sld [smem:$0x3F9F]  }
0x2c: {  	s7 =	sld [smem:$0x3FA0]  }
0x2d: {  	s3 =	simm.s32 $0x108;
	s8 =	sld [smem:$0x3FA1]  }
0x2e: {  	s3 =	simm.s32 @!p0 $0x1082;
	s9 =	sld [smem:$0x3FA2]  }
0x2f: {  	lr =	sadd.s32 s0, s3;
	s0 =	sld [smem:$0x3F99]  }
0x30: {  	s3 =	sld [smem:$0x3F9C]  }
0x31: {  	[smem:$0x3FA5] =	sst s10  }
0x32: {  	s10 =	sld [smem:$0x3FA3];
	_ =	sdelay $0x3  }
0x33: {  	p0 =	seq.s32 s10, $0x1;
	s10 =	sld [smem:$0x3FA5];
	_ =	sdelay $0x3  }
0x34: {  	[smem:$0x3FA5] =	sst s10  }
0x35: {  	s10 =	sld [smem:$0x3FA4];
	_ =	sdelay $0x3  }
0x36: {  	p1 =	seq.s32 s10, $0x1;
	s10 =	sld [smem:$0x3FA5];
	_ =	sdelay $0x3  }
0x37: {  	[smem:$0x3FA5] =	sst s10  }
0x38: {  	s10 =	sld [smem:$0x3FA6]  }
0x39: {  	_ = 	snop;
	(pc) =	sbr.ind lr, $3  }
0x3a: {  	_ = 	snop  }
0x3b: {  	_ = 	snop  }
0x3c: {  	p2 =	seq.s32 s10, $0x1;
	s10 =	sld [smem:$0x3FA5]  }
0x3d: {  	_ =	shalt  }
0x3e: {  	_ =	shalt  }
0x3f: {  	_ =	shalt  }
0x40: {  	_ =	shalt  }
0x41: {  	_ =	shalt  }
0x42: {  	_ =	shalt  }
0x43: {  	_ =	shalt  }
0x44: {  	_ =	shalt  }
0x45: {  	_ =	shalt  }
0x46: {  	_ =	shalt  }
0x47: {  	_ =	shalt  }
0x48: {  	_ =	shalt  }
0x49: {  	_ =	shalt  }
0x4a: {  	_ =	shalt  }
0x4b: {  	_ =	shalt  }
0x4c: {  	_ =	shalt  }
0x4d: {  	_ =	shalt  }
0x4e: {  	_ =	shalt  }
0x4f: {  	_ =	shalt  }
0x50: {  	_ =	shalt  }
0x51: {  	_ =	shalt  }
0x52: {  	_ =	shalt  }
0x53: {  	_ =	shalt  }
0x54: {  	_ =	shalt  }
0x55: {  	_ =	shalt  }
0x56: {  	_ =	shalt  }
0x57: {  	_ =	shalt  }
0x58: {  	_ =	shalt  }
0x59: {  	_ =	shalt  }
0x5a: {  	_ =	shalt  }
0x5b: {  	_ =	shalt  }
0x5c: {  	_ =	shalt  }
0x5d: {  	_ =	shalt  }
0x5e: {  	_ =	shalt  }
0x5f: {  	_ =	shalt  }
0x60: {  	_ =	shalt  }
0x61: {  	_ =	shalt  }
0x62: {  	_ =	shalt  }
0x63: {  	_ =	shalt  }
0x64: {  	_ =	shalt  }
0x65: {  	_ =	shalt  }
0x66: {  	_ =	shalt  }
0x67: {  	_ =	shalt  }
0x68: {  	_ =	shalt  }
0x69: {  	_ =	shalt  }
0x6a: {  	_ =	shalt  }
0x6b: {  	_ =	shalt  }
0x6c: {  	_ =	shalt  }
0x6d: {  	_ =	shalt  }
0x6e: {  	_ =	shalt  }
0x6f: {  	_ =	shalt  }
0x70: {  	_ =	shalt  }
0x71: {  	_ =	shalt  }
0x72: {  	_ =	shalt  }
0x73: {  	_ =	shalt  }
0x74: {  	_ =	shalt  }
0x75: {  	_ =	shalt  }
0x76: {  	_ =	shalt  }
0x77: {  	_ =	shalt  }
0x78: {  	_ =	shalt  }
0x79: {  	_ =	shalt  }
0x7a: {  	_ =	shalt  }
0x7b: {  	_ =	shalt  }
0x7c: {  	_ =	shalt  }
0x7d: {  	_ =	shalt  }
0x7e: {  	_ =	shalt  }
0x7f: {  	_ =	shalt  }
0x80: {  	_ =	shalt  }
0x81: {  	_ =	shalt  }
0x82: {  	_ =	shalt  }
0x83: {  	_ =	shalt  }
0x84: {  	_ =	shalt  }
0x85: {  	_ =	shalt  }
0x86: {  	_ =	shalt  }
0x87: {  	_ =	shalt  }
.Lfunc_end0:
.L_simem_size_0:
called_computation_lowered:
.L_overlay_start_0:
0x88: {  	s2 =	sld [smem:$0x3FD9]  }
0x89: {  	s3 =	sld [smem:$0x3FFE];
	_ =	sdelay $0x1  }
0x8a: {  	s1 =	srdreg.scid  }
0x8b: {  	s0 =	sand.u32 $0x1, s1  }
0x8c: {  	s16 =	sshll.u32 s0, $0xA;
	s2 =	sadd.s32 s3, s2  }
0x8d: {  	s2 =	sadd.s32 s2, s16  }
0x8e: {  	[smem:$0x3FB1] =	sst s2  }
0x8f: {  	_ = 	snop  }
0x90: {  	(tm) =	ssettm $0x1  }
0x91: {  	s17 =	sld [smem:$0x3FFB];
	_ =	sdelay $0x3  }
0x92: {  	_ =	strace s17  }
0x93: {  	s2 =	sld [smem:$0x3FFC];
	_ =	sdelay $0x3  }
0x94: {  	_ =	strace s2  }
0x95: {  	s2 =	sld [smem:$0x3FFD];
	_ =	sdelay $0x3  }
0x96: {  	_ =	strace s2  }
0x97: {  	_ =	strace $0x8FFFFFFF  }
0x98: {  	s18 =	sld [smem:$0x3FDB];
	_ =	sdelay $0x1  }
0x99: {  	s19 =	simm.s32 $_scs_section_size  }
0x9a: {  	s4 =	simm.s32 $_size__tile_overlayer_lowered;
	s5 =	simm.s32 $_tile_overlayer_lowered  }
0x9b: {  	s22 =	simm.s32 $0x1BFF;
	s21 =	sshll.u32 s5, $0x1;
	s2 =	sadd.s32 s19, s18  }
0x9c: {  	s6 =	simm.s32 $0x0;
	s20 =	sshll.u32 s4, $0x1;
	s4 =	sadd.s32 s21, s2  }
0x9d: {  	[timem:s6], [sflag:s22] =	dma.local [hbm:s4], s20  }
0x9e: {  	_ =	swait.ge [sflag:s22], s20  }
0x9f: {  	s3 =	ssub.s32 $0x0, s20;
	[sflag:s22] =	ssyncset.done $0x0  }
0xa0: {  	[sflag:s22] =	ssyncadd.s32 s3;
	_ =	sdelay $0x1  }
0xa1: {  	s23 =	simm.s32 $0x1B8B  }
0xa2: {  	_ =	swait.ge [sflag:s23], $0x1  }
0xa3: {  	[sflag:s23] =	ssyncset.done $0x0  }
0xa4: {  	s25 =	simm.s32 $0x1B8E;
	s24 =	sld [smem:$0x3FFE];
	[sflag:s23] =	ssyncadd.s32 $0xFFFFFFFF  }
0xa5: {  	s26 =	simm.s32 $execute0_lowered;
	[smem:$0x3FD2] =	sst s25  }
0xa6: {  	s4 =	sshll.u32 s26, $0x1;
	_ =	strace $0x80000046;
	[dreg:$0x1] =	wrdreg $0xFFFFFFFF  }
0xa7: {  	s28 =	simm.s32 $_size_execute0_lowered;
	s2 =	sadd.s32 s2, s4;
	[dreg:$0x0] =	wrdreg $0x0  }
0xa8: {  	s4 =	sshll.u32 s28, $0x1;
	[dreg:$0x2] =	wrdreg s2  }
0xa9: {  	[dreg:$0x3] =	wrdreg s4  }
0xaa: {  	[dreg:$0x4] =	wrdreg $0xC0  }
0xab: {  	_ =	task [dreg:s6], $0x5FFFF  }
0xac: {  	[dreg:$0x1] =	wrdreg $0xFFFFFFFF  }
0xad: {  	[dreg:$0x0] =	wrdreg $0x60  }
0xae: {  	[dreg:$0x2] =	wrdreg s24  }
0xaf: {  	[dreg:$0x3] =	wrdreg $0x9  }
0xb0: {  	_ =	task.clear_ibuf [dreg:s6], $0x4FFFF;
	_ =	strace $0x90000046  }
0xb1: {  	s29 =	simm.s32 $0x9;
	_ =	strace $0x80000048  }
0xb2: {  	_ =	swait.ge [sflag:s29], $0x1  }
0xb3: {  	[sflag:s29] =	ssyncadd.s32 $0xFFFFFFFF  }
0xb4: {  	_ =	strace $0x90000048  }
0xb5: {  	_ =	sfence  }
0xb6: {  	s30 =	sld [smem:$0x0];
	_ =	sdelay $0x2  }
0xb7: {  	s31 =	sshll.u32 s1, $0xD;
	s1 =	sshrl.u32 s1, $0x2  }
0xb8: {  	s3 =	sand.u32 $0x4000, s31;
	s1 =	sadd.s32 s1, s30  }
0xb9: {  	s0 =	sor.u32 s3, s0;
	s1 =	sshll.u32 s1, $0x11  }
0xba: {  	s0 =	sor.u32 s1, s0  }
0xbb: {  	s0 =	sadd.s32 $0x8F2B, s0  }
0xbc: {  	[sflag:s0] =	ssyncadd.remote.s32 $0x1  }
0xbd: {  	_ =	sfence.sel $0xFFFF  }
0xbe: {  	[dreg:$0x0] =	wrdreg $0xFFFFFFFF;
	(pc) =	sbr.abs _section_cstart, $3  }
0xbf: {  	[dreg:$0x1] =	wrdreg $0xFFFFFFFF  }
0xc0: {  	_ =	task.clear_ibuf [dreg:s6], $0x2FFFF;
	_ =	strace $0x9FFFFFFF  }
0xc1: {  	(tm) =	ssettm $0x7FFFFFFF  }
tec
execute0_lowered:
.L_overlay_start_1:
0x0: {  	(tag) =	ssettag $0x1  }
0x1: {  	s4 =	rddreg [dreg:$0x0]  }
0x2: {  	s0 =	rddreg [dreg:$0x1]  }
0x3: {  	s3 =	srdreg.scid;
	s2 =	simm.s32 $0x0;
	s1 =	stileid.u32  }
0x4: {  	s10 =	simm.s32 $0x1;
	s11 =	simm.s32 $0x0;
	s5 =	sand.u32 $0x1, s3  }
0x5: {  	[smem:$0x7FF] =	sst s2;
	s29 =	sshll.u32 s1, $0xD;
	s3 =	sadd.s32 $0x4600, s4  }
0x6: {  	s8 =	sshll.u32 s1, $0x11;
	s6 =	sshll.u32 s5, $0xC;
	_ =	strace $0x80000047  }
0x7: {  	s7 =	ssub.s32 $0x2, s5;
	s8 =	sadd.s32 s8, s4;
	s30 =	sshll.u32 s5, $0x10  }
0x8: {  	s6 =	sor.u32 s6, s29;
	s9 =	sshrl.u32 s7, $0x1;
	s31 =	sadd.s32 s30, s8  }
0x9: {  	s8 =	simm.s32 $0x80;
	s6 =	sshrl.u32 s6, $0x3;
	s7 =	ssub.s32 s7, s9  }
0xa: {  	s9 =	simm.s32 $0x1000;
	s6 =	sadd.s32 s6, s4;
	s5 =	smax.u32 s7, $0x1  }
0xb: {  	s7 =	simm.s32 $0x2;
	s4 =	sadd.s32 $0x44600, s6;
	s6 =	sadd.s32 $0x48600, s31  }
.LBB2_1:
0xc: {  	[tilespmem:s2], [sflag:$0x2] =	stream.linear.gather [hbm4b:s4+s2], $0x1000, $0x38;
	[tilespmem:$0x5000] =	vst v63  }
0xd: {  	_ =	swait.ge [sflag:s7], $0x1000  }
0xe: {  	[sflag:s7] =	ssyncset.done $0x0  }
0xf: {  	s12 =	simm.s32 $0x0;
	[sflag:s7] =	ssyncadd.s32 $0xFFFFF000  }
0x10: {  	[tilespmem:s9], [sflag:$0x1] =	stream.indirect.gather [hbm4b:s3+s8], $0x80, s12, s8, $0xb8;
	[tilespmem:$0x5000] =	vst v63  }
0x11: {  	_ =	swait.ge [sflag:s10], $0x4000  }
0x12: {  	[sflag:s10] =	ssyncset.done $0x0  }
0x13: {  	[sflag:s10] =	ssyncadd.s32 $0xFFFFC000  }
0x14: {  	[hbm4b:s6+s2] =	stream.linear.scatter [tilespmem:s9], [sflag:$0x2], $0x4000, $0x38;
	[tilespmem:$0x5000] =	vst v63  }
0x15: {  	s13 =	simm.s32 $0x200;
	_ =	swait.ge [sflag:s7], $0x4000  }
0x16: {  	s14 =	simm.s32 $0x400;
	s12 =	sadd.s32 $0x800, s6;
	[sflag:s7] =	ssyncset.done $0x0  }
.LBB2_2:
0x17: {  	s15 =	sshra.s32 s13, $0x2  }
0x18: {  	[sflag:s7] =	ssyncadd.s32 $0xFFFFC000;
	s13 =	smov.u32 s14;
	s16 =	sadd.s32 $0x200, s14  }
0x19: {  	[tilespmem:s9], [sflag:$0x1] =	stream.indirect.gather [hbm4b:s3+s8], $0x80, s15, s8, $0xb8;
	[tilespmem:$0x5000] =	vst v63  }
0x1a: {  	p0 =	sne.s32 s14, $0x3E00;
	_ =	swait.ge [sflag:s10], $0x4000  }
.Ltmp0:
0x1b: {  	[sflag:s10] =	ssyncset.done $0x0;
	(pc) =	sbr.rel @p0 .LBB2_2-.Ltmp0, $4  }
0x1c: {  	[sflag:s10] =	ssyncadd.s32 $0xFFFFC000  }
0x1d: {  	[hbm4b:s12+s2] =	stream.linear.scatter [tilespmem:s9], [sflag:$0x2], $0x4000, $0x38;
	[tilespmem:$0x5000] =	vst v63  }
0x1e: {  	_ =	swait.ge [sflag:s7], $0x4000  }
0x1f: {  	s14 =	smov.u32 s16;
	s12 =	sadd.s32 $0x800, s12;
	[sflag:s7] =	ssyncset.done $0x0  }
0x20: {  	s13 =	sshra.s32 s13, $0x2;
	[sflag:s7] =	ssyncadd.s32 $0xFFFFC000  }
0x21: {  	[tilespmem:s9], [sflag:$0x1] =	stream.indirect.gather [hbm4b:s3+s8], $0x80, s13, s8, $0xb8;
	[tilespmem:$0x5000] =	vst v63  }
0x22: {  	s11 =	sadd.s32 $0x1, s11;
	_ =	swait.ge [sflag:s10], $0x4000  }
0x23: {  	p0 =	sne.s32 s11, s5;
	[sflag:s10] =	ssyncset.done $0x0  }
.Ltmp1:
0x24: {  	[sflag:s10] =	ssyncadd.s32 $0xFFFFC000;
	(pc) =	sbr.rel @p0 .LBB2_1-.Ltmp1, $4  }
0x25: {  	[hbm4b:s12+s2] =	stream.linear.scatter [tilespmem:s9], [sflag:$0x2], $0x4000, $0x38;
	[tilespmem:$0x5000] =	vst v63  }
0x26: {  	_ =	swait.ge [sflag:s7], $0x4000  }
0x27: {  	[sflag:s7] =	ssyncset.done $0x0  }
0x28: {  	[sflag:s7] =	ssyncadd.s32 $0xFFFFC000  }
0x29: {  	_ =	sfence.sel $0x180000  }
0x2a: {  	[bflag:$0x0] =	sbarrier.arrive $0xFFFF  }
0x2b: {  	p0 =	sne.s32 s1, $0x0;
	_ =	strace $0x90000047  }
0x2c: {  	s0 =	sadd.s32 @!p0 $0x100000, s0;
	[bflag:$0x2] =	sbarrier.arrive $0xFFFF  }
0x2d: {  	[sflag:s0] =	ssyncadd.tile.s32 @!p0 $0x1;
	_ =	shalt  }
.Lfunc_end2:
_tile_overlayer_lowered:
.L_overlay_start_2:
0x2e: {  	(tag) =	ssettag $0x2  }
0x2f: {  	s0 =	rddreg [dreg:$0x0];
	s2 =	stileid.u32  }
0x30: {  	s1 =	rddreg [dreg:$0x1];
	p0 =	sne.s32 s2, $0x0  }
0x31: {  	s3 =	rddreg [dreg:$0x2];
	[bflag:$0x3] =	sbarrier.arrive $0xFFFF;
	s2 =	simm.s32 @!p0 $0x1C02  }
0x32: {  	[timem:s3], [sflag:s2] =	dma.local @!p0 [hbm:s0], s1  }
0x33: {  	s0 =	simm.s32 @!p0 $0x2  }
0x34: {  	_ =	swait.ge @!p0 [sflag:s0], s1  }
0x35: {  	s1 =	ssub.s32 @!p0 $0x0, s1;
	[sflag:s0] =	ssyncset.done @!p0 $0x0  }
0x36: {  	[sflag:s0] =	ssyncadd.s32 @!p0 s1  }
0x37: {  	[bflag:$0x3] =	sbarrier.arrive $0xFFFF  }
0x38: {  	_ =	shalt  }

// kernel: kernel.14.cloned.1.call-start
scs
__scs_entry_jumppad:
0x0: {  	(pc) =	sbr.rel $0x88, $3  }
0x1: {  	(tag) =	ssettag $0x0;
	lr =	simm.s32 $0x1  }
0x2: {  	[smem:$0x3F8A] =	sst lr;
	_ =	strace $0xD0000000  }
0x3: {  	_ = 	snop  }
0x4: {  	_ = 	snop  }
0x5: {  	_ = 	snop  }
0x6: {  	_ = 	snop  }
0x7: {  	_ = 	snop  }
__scs_overlays_trampoline_lowered:
0x8: {  	[smem:$0x3F99] =	sst s0  }
0x9: {  	[smem:$0x3F9A] =	sst s1  }
0xa: {  	[smem:$0x3F9B] =	sst s2  }
0xb: {  	[smem:$0x3F9C] =	sst s3  }
0xc: {  	[smem:$0x3F9D] =	sst s4  }
0xd: {  	[smem:$0x3F9E] =	sst s5  }
0xe: {  	[smem:$0x3F9F] =	sst s6  }
0xf: {  	[smem:$0x3FA0] =	sst s7  }
0x10: {  	[smem:$0x3FA1] =	sst s8  }
0x11: {  	[smem:$0x3FA2] =	sst s9;
	s0 =	simm.s32 @!p0 $0x0  }
0x12: {  	s1 =	sld [smem:$0x3F88];
	s0 =	simm.s32 @p0 $0x1  }
0x13: {  	[smem:$0x3FA3] =	sst s0;
	s0 =	simm.s32 @!p1 $0x0  }
0x14: {  	s2 =	sld [smem:$0x3F87];
	s0 =	simm.s32 @p1 $0x1  }
0x15: {  	[smem:$0x3FA4] =	sst s0;
	s0 =	simm.s32 @!p2 $0x0  }
0x16: {  	s3 =	sld [smem:$0x3FDB];
	s0 =	simm.s32 @p2 $0x1  }
0x17: {  	s4 =	simm.s32 $0x1BF5;
	[smem:$0x3FA6] =	sst s0  }
0x18: {  	s0 =	sld [smem:$0x3F89];
	_ =	swait.ge [sflag:s4], $0x0  }
0x19: {  	s7 =	sld [smem:$0x3F8A]  }
0x1a: {  	s8 =	sadd.s32 $0xFFFFE003, lr  }
0x1b: {  	s9 =	sadd.s32 $0xFFFFFEF7, lr;
	s5 =	simm.s32 $0xFFFFFFFF;
	p2 =	slt.u32 s8, $0xFFFFF086  }
0x1c: {  	p1 =	slt.u32 s9, $0xF7A;
	s5 =	simm.s32 @!p2 $0x0  }
0x1d: {  	s5 =	simm.s32 @p1 $0x1;
	p0 =	seq.s32 s7, s2  }
0x1e: {  	s7 =	smul.u32 @!p0 $0xF7A, s2;
	p2 =	seq.s32 @!p0 s5, $0x0  }
0x1f: {  	s9 =	smul.u32 $0xF7A, s1;
	s8 =	simm.s32 @!p0 $0x1BF5;
	p2 =	por !p2, p0  }
0x20: {  	[sflag:s8] =	ssyncset.s32 @!p0 $0xFFFFF086;
	s6 =	sadd.s32 @!p0 s3, s7;
	s7 =	simm.s32 @!p0 $0x108  }
0x21: {  	s3 =	sadd.s32 s3, s9;
	s6 =	sadd.s32 @!p0 $0x88, s6;
	s7 =	simm.s32 @p2 $0x1082  }
0x22: {  	[simem:s7], [sflag:s8] =	dma.local @!p0 [hbm:s6], $0xF7A  }
0x23: {  	s9 =	sor.u32 $0xD0000000, s2;
	s6 =	simm.s32 $0x108;
	_ =	swait.ge @!p0 [sflag:s8], $0x0  }
0x24: {  	s3 =	sadd.s32 $0x88, s3;
	s6 =	simm.s32 @!p1 $0x1082;
	[sflag:s4] =	ssyncset.s32 $0xFFFFF086  }
0x25: {  	[simem:s6], [sflag:s4] =	dma.local [hbm:s3], $0xF7A  }
0x26: {  	[smem:$0x3F8A] =	sst s1;
	(tag) =	ssettag s2;
	_ =	strace s9  }
0x27: {  	s1 =	sld [smem:$0x3F9A]  }
0x28: {  	s2 =	sld [smem:$0x3F9B]  }
0x29: {  	s4 =	sld [smem:$0x3F9D]  }
0x2a: {  	p0 =	seq.s32 s5, $0x0;
	s5 =	sld [smem:$0x3F9E]  }
0x2b: {  	s6 =	sld [smem:$0x3F9F]  }
0x2c: {  	s7 =	sld [smem:$0x3FA0]  }
0x2d: {  	s3 =	simm.s32 $0x108;
	s8 =	sld [smem:$0x3FA1]  }
0x2e: {  	s3 =	simm.s32 @!p0 $0x1082;
	s9 =	sld [smem:$0x3FA2]  }
0x2f: {  	lr =	sadd.s32 s0, s3;
	s0 =	sld [smem:$0x3F99]  }
0x30: {  	s3 =	sld [smem:$0x3F9C]  }
0x31: {  	[smem:$0x3FA5] =	sst s10  }
0x32: {  	s10 =	sld [smem:$0x3FA3];
	_ =	sdelay $0x3  }
0x33: {  	p0 =	seq.s32 s10, $0x1;
	s10 =	sld [smem:$0x3FA5];
	_ =	sdelay $0x3  }
0x34: {  	[smem:$0x3FA5] =	sst s10  }
0x35: {  	s10 =	sld [smem:$0x3FA4];
	_ =	sdelay $0x3  }
0x36: {  	p1 =	seq.s32 s10, $0x1;
	s10 =	sld [smem:$0x3FA5];
	_ =	sdelay $0x3  }
0x37: {  	[smem:$0x3FA5] =	sst s10  }
0x38: {  	s10 =	sld [smem:$0x3FA6]  }
0x39: {  	_ = 	snop;
	(pc) =	sbr.ind lr, $3  }
0x3a: {  	_ = 	snop  }
0x3b: {  	_ = 	snop  }
0x3c: {  	p2 =	seq.s32 s10, $0x1;
	s10 =	sld [smem:$0x3FA5]  }
0x3d: {  	_ =	shalt  }
0x3e: {  	_ =	shalt  }
0x3f: {  	_ =	shalt  }
0x40: {  	_ =	shalt  }
0x41: {  	_ =	shalt  }
0x42: {  	_ =	shalt  }
0x43: {  	_ =	shalt  }
0x44: {  	_ =	shalt  }
0x45: {  	_ =	shalt  }
0x46: {  	_ =	shalt  }
0x47: {  	_ =	shalt  }
0x48: {  	_ =	shalt  }
0x49: {  	_ =	shalt  }
0x4a: {  	_ =	shalt  }
0x4b: {  	_ =	shalt  }
0x4c: {  	_ =	shalt  }
0x4d: {  	_ =	shalt  }
0x4e: {  	_ =	shalt  }
0x4f: {  	_ =	shalt  }
0x50: {  	_ =	shalt  }
0x51: {  	_ =	shalt  }
0x52: {  	_ =	shalt  }
0x53: {  	_ =	shalt  }
0x54: {  	_ =	shalt  }
0x55: {  	_ =	shalt  }
0x56: {  	_ =	shalt  }
0x57: {  	_ =	shalt  }
0x58: {  	_ =	shalt  }
0x59: {  	_ =	shalt  }
0x5a: {  	_ =	shalt  }
0x5b: {  	_ =	shalt  }
0x5c: {  	_ =	shalt  }
0x5d: {  	_ =	shalt  }
0x5e: {  	_ =	shalt  }
0x5f: {  	_ =	shalt  }
0x60: {  	_ =	shalt  }
0x61: {  	_ =	shalt  }
0x62: {  	_ =	shalt  }
0x63: {  	_ =	shalt  }
0x64: {  	_ =	shalt  }
0x65: {  	_ =	shalt  }
0x66: {  	_ =	shalt  }
0x67: {  	_ =	shalt  }
0x68: {  	_ =	shalt  }
0x69: {  	_ =	shalt  }
0x6a: {  	_ =	shalt  }
0x6b: {  	_ =	shalt  }
0x6c: {  	_ =	shalt  }
0x6d: {  	_ =	shalt  }
0x6e: {  	_ =	shalt  }
0x6f: {  	_ =	shalt  }
0x70: {  	_ =	shalt  }
0x71: {  	_ =	shalt  }
0x72: {  	_ =	shalt  }
0x73: {  	_ =	shalt  }
0x74: {  	_ =	shalt  }
0x75: {  	_ =	shalt  }
0x76: {  	_ =	shalt  }
0x77: {  	_ =	shalt  }
0x78: {  	_ =	shalt  }
0x79: {  	_ =	shalt  }
0x7a: {  	_ =	shalt  }
0x7b: {  	_ =	shalt  }
0x7c: {  	_ =	shalt  }
0x7d: {  	_ =	shalt  }
0x7e: {  	_ =	shalt  }
0x7f: {  	_ =	shalt  }
0x80: {  	_ =	shalt  }
0x81: {  	_ =	shalt  }
0x82: {  	_ =	shalt  }
0x83: {  	_ =	shalt  }
0x84: {  	_ =	shalt  }
0x85: {  	_ =	shalt  }
0x86: {  	_ =	shalt  }
0x87: {  	_ =	shalt  }
.Lfunc_end0:
.L_simem_size_0:
called_computation.1_lowered:
.L_overlay_start_0:
0x88: {  	s2 =	sld [smem:$0x3FD9]  }
0x89: {  	s3 =	sld [smem:$0x3FFE];
	_ =	sdelay $0x1  }
0x8a: {  	s1 =	srdreg.scid  }
0x8b: {  	s0 =	sand.u32 $0x1, s1  }
0x8c: {  	s16 =	sshll.u32 s0, $0xA;
	s2 =	sadd.s32 s3, s2  }
0x8d: {  	s2 =	sadd.s32 s2, s16  }
0x8e: {  	[smem:$0x3FB1] =	sst s2  }
0x8f: {  	_ = 	snop  }
0x90: {  	(tm) =	ssettm $0x1  }
0x91: {  	s17 =	sld [smem:$0x3FFB];
	_ =	sdelay $0x3  }
0x92: {  	_ =	strace s17  }
0x93: {  	s2 =	sld [smem:$0x3FFC];
	_ =	sdelay $0x3  }
0x94: {  	_ =	strace s2  }
0x95: {  	s2 =	sld [smem:$0x3FFD];
	_ =	sdelay $0x3  }
0x96: {  	_ =	strace s2  }
0x97: {  	_ =	strace $0x8FFFFFFF  }
0x98: {  	s18 =	sld [smem:$0x3FDB];
	_ =	sdelay $0x1  }
0x99: {  	s19 =	simm.s32 $_scs_section_size  }
0x9a: {  	s4 =	simm.s32 $_size__tile_overlayer_lowered;
	s5 =	simm.s32 $_tile_overlayer_lowered  }
0x9b: {  	s22 =	simm.s32 $0x1BFF;
	s21 =	sshll.u32 s5, $0x1;
	s2 =	sadd.s32 s19, s18  }
0x9c: {  	s6 =	simm.s32 $0x0;
	s20 =	sshll.u32 s4, $0x1;
	s4 =	sadd.s32 s21, s2  }
0x9d: {  	[timem:s6], [sflag:s22] =	dma.local [hbm:s4], s20  }
0x9e: {  	_ =	swait.ge [sflag:s22], s20  }
0x9f: {  	s3 =	ssub.s32 $0x0, s20;
	[sflag:s22] =	ssyncset.done $0x0  }
0xa0: {  	[sflag:s22] =	ssyncadd.s32 s3;
	_ =	sdelay $0x1  }
0xa1: {  	s23 =	simm.s32 $0x1B8B  }
0xa2: {  	_ =	swait.ge [sflag:s23], $0x1  }
0xa3: {  	[sflag:s23] =	ssyncset.done $0x0  }
0xa4: {  	s25 =	simm.s32 $0x1B8E;
	s24 =	sld [smem:$0x3FFE];
	[sflag:s23] =	ssyncadd.s32 $0xFFFFFFFF  }
0xa5: {  	s26 =	simm.s32 $execute0_lowered;
	[smem:$0x3FD2] =	sst s25  }
0xa6: {  	s4 =	sshll.u32 s26, $0x1;
	_ =	strace $0x80000049;
	[dreg:$0x1] =	wrdreg $0xFFFFFFFF  }
0xa7: {  	s28 =	simm.s32 $_size_execute0_lowered;
	s2 =	sadd.s32 s2, s4;
	[dreg:$0x0] =	wrdreg $0x0  }
0xa8: {  	s4 =	sshll.u32 s28, $0x1;
	[dreg:$0x2] =	wrdreg s2  }
0xa9: {  	[dreg:$0x3] =	wrdreg s4  }
0xaa: {  	[dreg:$0x4] =	wrdreg $0xC0  }
0xab: {  	_ =	task [dreg:s6], $0x5FFFF  }
0xac: {  	[dreg:$0x1] =	wrdreg $0xFFFFFFFF  }
0xad: {  	[dreg:$0x0] =	wrdreg $0x60  }
0xae: {  	[dreg:$0x2] =	wrdreg s24  }
0xaf: {  	[dreg:$0x3] =	wrdreg $0x9  }
0xb0: {  	_ =	task.clear_ibuf [dreg:s6], $0x4FFFF;
	_ =	strace $0x90000049  }
0xb1: {  	s29 =	simm.s32 $0x9;
	_ =	strace $0x8000004B  }
0xb2: {  	_ =	swait.ge [sflag:s29], $0x1  }
0xb3: {  	[sflag:s29] =	ssyncadd.s32 $0xFFFFFFFF  }
0xb4: {  	_ =	strace $0x9000004B  }
0xb5: {  	_ =	sfence  }
0xb6: {  	s30 =	sld [smem:$0x0];
	_ =	sdelay $0x2  }
0xb7: {  	s31 =	sshll.u32 s1, $0xD;
	s1 =	sshrl.u32 s1, $0x2  }
0xb8: {  	s3 =	sand.u32 $0x4000, s31;
	s1 =	sadd.s32 s1, s30  }
0xb9: {  	s0 =	sor.u32 s3, s0;
	s1 =	sshll.u32 s1, $0x11  }
0xba: {  	s0 =	sor.u32 s1, s0  }
0xbb: {  	s0 =	sadd.s32 $0x8F2B, s0  }
0xbc: {  	[sflag:s0] =	ssyncadd.remote.s32 $0x1  }
0xbd: {  	_ =	sfence.sel $0xFFFF  }
0xbe: {  	[dreg:$0x0] =	wrdreg $0xFFFFFFFF;
	(pc) =	sbr.abs _section_cstart, $3  }
0xbf: {  	[dreg:$0x1] =	wrdreg $0xFFFFFFFF  }
0xc0: {  	_ =	task.clear_ibuf [dreg:s6], $0x2FFFF;
	_ =	strace $0x9FFFFFFF  }
0xc1: {  	(tm) =	ssettm $0x7FFFFFFF  }
tec
execute0_lowered:
.L_overlay_start_1:
0x0: {  	(tag) =	ssettag $0x1  }
0x1: {  	s4 =	rddreg [dreg:$0x0]  }
0x2: {  	s0 =	rddreg [dreg:$0x1]  }
0x3: {  	s3 =	srdreg.scid;
	s2 =	simm.s32 $0x0;
	s1 =	stileid.u32  }
0x4: {  	s10 =	simm.s32 $0x1;
	s11 =	simm.s32 $0x0;
	s5 =	sand.u32 $0x1, s3  }
0x5: {  	[smem:$0x7FF] =	sst s2;
	s29 =	sshll.u32 s1, $0xD;
	s3 =	sadd.s32 $0x4600, s4  }
0x6: {  	s8 =	sshll.u32 s1, $0x11;
	s6 =	sshll.u32 s5, $0xC;
	_ =	strace $0x8000004A  }
0x7: {  	s7 =	ssub.s32 $0x2, s5;
	s8 =	sadd.s32 s8, s4;
	s30 =	sshll.u32 s5, $0x10  }
0x8: {  	s6 =	sor.u32 s6, s29;
	s9 =	sshrl.u32 s7, $0x1;
	s31 =	sadd.s32 s30, s8  }
0x9: {  	s8 =	simm.s32 $0x80;
	s6 =	sshrl.u32 s6, $0x3;
	s7 =	ssub.s32 s7, s9  }
0xa: {  	s9 =	simm.s32 $0x1000;
	s6 =	sadd.s32 s6, s4;
	s5 =	smax.u32 s7, $0x1  }
0xb: {  	s7 =	simm.s32 $0x2;
	s4 =	sadd.s32 $0x44600, s6;
	s6 =	sadd.s32 $0x48600, s31  }
.LBB2_1:
0xc: {  	[tilespmem:s2], [sflag:$0x2] =	stream.linear.gather [hbm4b:s4+s2], $0x1000, $0x38;
	[tilespmem:$0x5000] =	vst v63  }
0xd: {  	_ =	swait.ge [sflag:s7], $0x1000  }
0xe: {  	[sflag:s7] =	ssyncset.done $0x0  }
0xf: {  	s12 =	simm.s32 $0x0;
	[sflag:s7] =	ssyncadd.s32 $0xFFFFF000  }
0x10: {  	[tilespmem:s9], [sflag:$0x1] =	stream.indirect.gather [hbm4b:s3+s8], $0x80, s12, s8, $0xb8;
	[tilespmem:$0x5000] =	vst v63  }
0x11: {  	_ =	swait.ge [sflag:s10], $0x4000  }
0x12: {  	[sflag:s10] =	ssyncset.done $0x0  }
0x13: {  	[sflag:s10] =	ssyncadd.s32 $0xFFFFC000  }
0x14: {  	[hbm4b:s6+s2] =	stream.linear.scatter [tilespmem:s9], [sflag:$0x2], $0x4000, $0x38;
	[tilespmem:$0x5000] =	vst v63  }
0x15: {  	s13 =	simm.s32 $0x200;
	_ =	swait.ge [sflag:s7], $0x4000  }
0x16: {  	s14 =	simm.s32 $0x400;
	s12 =	sadd.s32 $0x800, s6;
	[sflag:s7] =	ssyncset.done $0x0  }
.LBB2_2:
0x17: {  	s15 =	sshra.s32 s13, $0x2  }
0x18: {  	[sflag:s7] =	ssyncadd.s32 $0xFFFFC000;
	s13 =	smov.u32 s14;
	s16 =	sadd.s32 $0x200, s14  }
0x19: {  	[tilespmem:s9], [sflag:$0x1] =	stream.indirect.gather [hbm4b:s3+s8], $0x80, s15, s8, $0xb8;
	[tilespmem:$0x5000] =	vst v63  }
0x1a: {  	p0 =	sne.s32 s14, $0x3E00;
	_ =	swait.ge [sflag:s10], $0x4000  }
.Ltmp0:
0x1b: {  	[sflag:s10] =	ssyncset.done $0x0;
	(pc) =	sbr.rel @p0 .LBB2_2-.Ltmp0, $4  }
0x1c: {  	[sflag:s10] =	ssyncadd.s32 $0xFFFFC000  }
0x1d: {  	[hbm4b:s12+s2] =	stream.linear.scatter [tilespmem:s9], [sflag:$0x2], $0x4000, $0x38;
	[tilespmem:$0x5000] =	vst v63  }
0x1e: {  	_ =	swait.ge [sflag:s7], $0x4000  }
0x1f: {  	s14 =	smov.u32 s16;
	s12 =	sadd.s32 $0x800, s12;
	[sflag:s7] =	ssyncset.done $0x0  }
0x20: {  	s13 =	sshra.s32 s13, $0x2;
	[sflag:s7] =	ssyncadd.s32 $0xFFFFC000  }
0x21: {  	[tilespmem:s9], [sflag:$0x1] =	stream.indirect.gather [hbm4b:s3+s8], $0x80, s13, s8, $0xb8;
	[tilespmem:$0x5000] =	vst v63  }
0x22: {  	s11 =	sadd.s32 $0x1, s11;
	_ =	swait.ge [sflag:s10], $0x4000  }
0x23: {  	p0 =	sne.s32 s11, s5;
	[sflag:s10] =	ssyncset.done $0x0  }
.Ltmp1:
0x24: {  	[sflag:s10] =	ssyncadd.s32 $0xFFFFC000;
	(pc) =	sbr.rel @p0 .LBB2_1-.Ltmp1, $4  }
0x25: {  	[hbm4b:s12+s2] =	stream.linear.scatter [tilespmem:s9], [sflag:$0x2], $0x4000, $0x38;
	[tilespmem:$0x5000] =	vst v63  }
0x26: {  	_ =	swait.ge [sflag:s7], $0x4000  }
0x27: {  	[sflag:s7] =	ssyncset.done $0x0  }
0x28: {  	[sflag:s7] =	ssyncadd.s32 $0xFFFFC000  }
0x29: {  	_ =	sfence.sel $0x180000  }
0x2a: {  	[bflag:$0x0] =	sbarrier.arrive $0xFFFF  }
0x2b: {  	p0 =	sne.s32 s1, $0x0;
	_ =	strace $0x9000004A  }
0x2c: {  	s0 =	sadd.s32 @!p0 $0x100000, s0;
	[bflag:$0x2] =	sbarrier.arrive $0xFFFF  }
0x2d: {  	[sflag:s0] =	ssyncadd.tile.s32 @!p0 $0x1;
	_ =	shalt  }
.Lfunc_end2:
_tile_overlayer_lowered:
.L_overlay_start_2:
0x2e: {  	(tag) =	ssettag $0x2  }
0x2f: {  	s0 =	rddreg [dreg:$0x0];
	s2 =	stileid.u32  }
0x30: {  	s1 =	rddreg [dreg:$0x1];
	p0 =	sne.s32 s2, $0x0  }
0x31: {  	s3 =	rddreg [dreg:$0x2];
	[bflag:$0x3] =	sbarrier.arrive $0xFFFF;
	s2 =	simm.s32 @!p0 $0x1C02  }
0x32: {  	[timem:s3], [sflag:s2] =	dma.local @!p0 [hbm:s0], s1  }
0x33: {  	s0 =	simm.s32 @!p0 $0x2  }
0x34: {  	_ =	swait.ge @!p0 [sflag:s0], s1  }
0x35: {  	s1 =	ssub.s32 @!p0 $0x0, s1;
	[sflag:s0] =	ssyncset.done @!p0 $0x0  }
0x36: {  	[sflag:s0] =	ssyncadd.s32 @!p0 s1  }
0x37: {  	[bflag:$0x3] =	sbarrier.arrive $0xFFFF  }
0x38: {  	_ =	shalt  }

</sc_bundles>
